<compile_context>
chip_gen: v7x
topology: tpu7x:2x2x1
jax: 0.10.2.dev20260603
libtpu: 0.0.44.dev20260713+nightly
codegen_flags: <defaults>
</compile_context>

<pallas_src>
import functools

import jax
import jax.numpy as jnp
from jax import lax
from jax.experimental import pallas as pl
from jax.experimental.pallas import tpu as pltpu
from jax.experimental.pallas import tpu_sc as plsc

EMBED_DIM = 64
NC = 2
NS = 16
NW = NC * NS
G = 128
NBUF = 4


@functools.partial(jax.jit, static_argnums=(2,))
def _emb(idx, wpad, ng):
    b_per_w = ng * G
    mesh = plsc.VectorSubcoreMesh(
        core_axis_name="c", subcore_axis_name="s", num_cores=NC,
        num_subcores=NS)

    @functools.partial(
        pl.kernel,
        out_type=jax.ShapeDtypeStruct(
            (NW * b_per_w, 2 * EMBED_DIM), jnp.float32),
        mesh=mesh,
        scratch_types=[
            pltpu.VMEM((ng, G), jnp.int32),
            pltpu.VMEM((NBUF, G), jnp.int32),
            pltpu.VMEM((NBUF, G, 2 * EMBED_DIM), jnp.float32),
            pltpu.SemaphoreType.DMA,
            pltpu.SemaphoreType.DMA,
        ],
        compiler_params=pltpu.CompilerParams(
            use_tc_tiling_on_sc=True, needs_layout_passes=False),
    )
    def body(idx_hbm, w_hbm, out_hbm, idx_v, idxs, pbuf, sem_g, sem_w):
        w = lax.axis_index("s") * NC + lax.axis_index("c")
        base = w * b_per_w
        pltpu.sync_copy(idx_hbm.at[w], idx_v)

        def fire_g(s, b):
            for k in range(G // 16):
                idxs[b, pl.ds(16 * k, 16)] = idx_v[s, pl.ds(16 * k, 16)]
            pltpu.async_copy(w_hbm.at[idxs.at[b]], pbuf.at[b], sem_g)

        def wait_g(s, b):
            pltpu.make_async_copy(
                w_hbm.at[idxs.at[b]], pbuf.at[b], sem_g).wait()

        def fire_w(s, b):
            pltpu.async_copy(
                pbuf.at[b], out_hbm.at[pl.ds(base + s * G, G)], sem_w)

        def wait_w(s, b):
            pltpu.make_async_copy(
                pbuf.at[b], out_hbm.at[pl.ds(base + s * G, G)], sem_w).wait()

        nq = ng // NBUF
        half = NBUF // 2
        fire_g(0, 0)
        fire_g(1, 1)

        def step(q, carry):
            for b in range(NBUF):
                s = q * NBUF + b
                b2 = (b + half) % NBUF

                wait_g(s, b)
                fire_w(s, b)

                @pl.when(s >= half)
                def _():
                    wait_w(s - half, b2)

                @pl.when(s + half < ng)
                def _():
                    fire_g(s + half, b2)

            return carry

        lax.fori_loop(0, nq, step, 0)
        for b in range(half):
            s = ng - half + b
            wait_w(s, s % NBUF)

    return body(idx, wpad)


def kernel(x, weight):
    bsz, ns = x.shape
    total = bsz * ns
    ng = total // (NW * G)
    wpad = jnp.pad(weight, ((0, 0), (0, 2 * EMBED_DIM - weight.shape[1])))
    idx = x.reshape(NW, ng, G).astype(jnp.int32)
    out = _emb(idx, wpad, ng)
    return out[:, :EMBED_DIM].reshape(bsz, ns, EMBED_DIM)

# --- scband reference (transcript-rebuilt; emitter-appended) ---
"""Pipeline reference for scband-embedding-22299470201183 (READ-ONLY COPY).

The authoritative reference and input builder live on the scoring server;
editing this copy changes nothing except your own understanding.
"""

import jax, jax.numpy as jnp
import numpy as np

VOCAB = 1000000
EMBED_DIM = 64
PADDING_IDX = 0

def setup_inputs(seed: int = 0) -> dict:
    key = jax.random.key(seed)
    k_idx, k_w = jax.random.split(key)
    x = jax.random.randint(k_idx, (4096, 200), 0, VOCAB, dtype=jnp.int64) if jax.config.jax_enable_x64 else jax.random.randint(k_idx, (4096, 200), 0, VOCAB, dtype=jnp.int32)
    weight = jax.random.normal(k_w, (VOCAB, EMBED_DIM), dtype=jnp.float32)
    # nn.Embedding with padding_idx zero-initializes that row
    weight = weight.at[PADDING_IDX].set(0.0)
    return {"x": x, "weight": weight}

def reference(x, weight):
    # Faithful to nn.Embedding(vocab, dim, padding_idx=0): plain row gather
    return jnp.take(weight, x, axis=0)

if __name__ == "__main__":
    import jax
    _d = setup_inputs()
    print(jax.jit(kernel)(*tuple(_d.values())))

</pallas_src>

<mosaic_0001>
#map = affine_map<(d0, d1) -> (0, 0, 0)>
#map1 = affine_map<(d0, d1) -> (0, 0)>
module attributes {stable_mosaic.version = 14 : i64} {
  func.func @body(%arg0: i32, %arg1: i32, %arg2: memref<32x200x128xi32, #tpu.memory_space<hbm>>, %arg3: memref<1000000x128xf32, #tpu.memory_space<hbm>>, %arg4: memref<819200x128xf32, #tpu.memory_space<hbm>>, %arg5: memref<200x128xi32, #tpu.memory_space<vmem>>, %arg6: memref<4x128xi32, #tpu.memory_space<vmem>>, %arg7: memref<4x128x128xf32, #tpu.memory_space<vmem>>, %arg8: memref<!tpu.dma_semaphore, #tpu.memory_space<semaphore_mem>>, %arg9: memref<!tpu.dma_semaphore, #tpu.memory_space<semaphore_mem>>) attributes {dimension_semantics = [#tpu.dimension_semantics<core_parallel>, #tpu.dimension_semantics<subcore_parallel>], iteration_bounds = array<i64: 2, 16>, scalar_prefetch = 0 : i64, scratch_operands = 5 : i64, tpu.core_type = #tpu.core_type<sc_vector_subcore>, window_params = [{transform_indices = #map}, {transform_indices = #map1}, {transform_indices = #map1}]} {
    %mul3A = arith.constant 2 : i32
    %mul3A_0 = arith.muli %arg1, %mul3A : i32
    %add3A = arith.addi %mul3A_0, %arg0 : i32
    %mul3A_1 = arith.constant 25600 : i32
    %mul3A_2 = arith.muli %add3A, %mul3A_1 : i32
    "tpu.region"() ({
      %run_scoped3A = tpu.sem_alloc : memref<!tpu.dma_semaphore, #tpu.memory_space<semaphore_mem>>
      %dma_start3A_186 = arith.constant 0 : i32
      %dma_start3A_187 = arith.constant 0 : i32
      %dma_start3A_188 = tpu.memref_slice %arg2[%add3A, %dma_start3A_186, %dma_start3A_187] : memref<32x200x128xi32, #tpu.memory_space<hbm>> -> memref<1x200x128xi32, #tpu.memory_space<hbm>>
      %dma_start3A_189 = tpu.memref_squeeze %dma_start3A_188 : memref<1x200x128xi32, #tpu.memory_space<hbm>> -> memref<200x128xi32, #tpu.memory_space<hbm>>
      %dma_start3A_190 = arith.constant 0 : i32
      %dma_start3A_191 = arith.constant 0 : i32
      %dma_start3A_192 = tpu.memref_slice %arg2[%add3A, %dma_start3A_190, %dma_start3A_191] : memref<32x200x128xi32, #tpu.memory_space<hbm>> -> memref<1x200x128xi32, #tpu.memory_space<hbm>>
      %dma_start3A_193 = tpu.memref_squeeze %dma_start3A_192 : memref<1x200x128xi32, #tpu.memory_space<hbm>> -> memref<200x128xi32, #tpu.memory_space<hbm>>
      tpu.enqueue_dma source(%dma_start3A_193 : memref<200x128xi32, #tpu.memory_space<hbm>>) target(%arg5 : memref<200x128xi32, #tpu.memory_space<vmem>>) target_semaphore(%run_scoped3A : memref<!tpu.dma_semaphore, #tpu.memory_space<semaphore_mem>>)
      %dma_wait3A_194 = arith.constant 0 : i32
      %dma_wait3A_195 = arith.constant 0 : i32
      %dma_wait3A_196 = tpu.memref_slice %arg2[%add3A, %dma_wait3A_194, %dma_wait3A_195] : memref<32x200x128xi32, #tpu.memory_space<hbm>> -> memref<1x200x128xi32, #tpu.memory_space<hbm>>
      %dma_wait3A_197 = tpu.memref_squeeze %dma_wait3A_196 : memref<1x200x128xi32, #tpu.memory_space<hbm>> -> memref<200x128xi32, #tpu.memory_space<hbm>>
      %dma_wait3A_198 = arith.constant 0 : i32
      %dma_wait3A_199 = arith.constant 0 : i32
      %dma_wait3A_200 = tpu.memref_slice %arg2[%add3A, %dma_wait3A_198, %dma_wait3A_199] : memref<32x200x128xi32, #tpu.memory_space<hbm>> -> memref<1x200x128xi32, #tpu.memory_space<hbm>>
      %dma_wait3A_201 = tpu.memref_squeeze %dma_wait3A_200 : memref<1x200x128xi32, #tpu.memory_space<hbm>> -> memref<200x128xi32, #tpu.memory_space<hbm>>
      tpu.wait_dma2 semaphore(%run_scoped3A : memref<!tpu.dma_semaphore, #tpu.memory_space<semaphore_mem>>) src(%dma_wait3A_201 : memref<200x128xi32, #tpu.memory_space<hbm>>) dst(%arg5 : memref<200x128xi32, #tpu.memory_space<vmem>>)
      tpu.yield
    }) : () -> ()
    %get3A = arith.constant 0 : i32
    %get3A_3 = arith.index_cast %get3A : i32 to index
    %get3A_4 = arith.constant 0 : index
    %get3A_5 = tpu.vector_load %arg5[%get3A_3, %get3A_4] {strides = array<i32>} : memref<200x128xi32, #tpu.memory_space<vmem>>, vector<16xi32>,
    %swap3A = arith.constant 0 : i32
    %swap3A_6 = arith.index_cast %swap3A : i32 to index
    %swap3A_7 = arith.constant 0 : index
    %swap3A_8 = tpu.vector_load %arg6[%swap3A_6, %swap3A_7] {strides = array<i32>} : memref<4x128xi32, #tpu.memory_space<vmem>>, vector<16xi32>,
    tpu.vector_store %arg6[%swap3A_6, %swap3A_7], %get3A_5 {strides = array<i32>} : memref<4x128xi32, #tpu.memory_space<vmem>>, vector<16xi32>,
    %get3A_9 = arith.constant 0 : i32
    %get3A_10 = arith.index_cast %get3A_9 : i32 to index
    %get3A_11 = arith.constant 16 : index
    %get3A_12 = tpu.vector_load %arg5[%get3A_10, %get3A_11] {strides = array<i32>} : memref<200x128xi32, #tpu.memory_space<vmem>>, vector<16xi32>,
    %swap3A_13 = arith.constant 0 : i32
    %swap3A_14 = arith.index_cast %swap3A_13 : i32 to index
    %swap3A_15 = arith.constant 16 : index
    %swap3A_16 = tpu.vector_load %arg6[%swap3A_14, %swap3A_15] {strides = array<i32>} : memref<4x128xi32, #tpu.memory_space<vmem>>, vector<16xi32>,
    tpu.vector_store %arg6[%swap3A_14, %swap3A_15], %get3A_12 {strides = array<i32>} : memref<4x128xi32, #tpu.memory_space<vmem>>, vector<16xi32>,
    %get3A_17 = arith.constant 0 : i32
    %get3A_18 = arith.index_cast %get3A_17 : i32 to index
    %get3A_19 = arith.constant 32 : index
    %get3A_20 = tpu.vector_load %arg5[%get3A_18, %get3A_19] {strides = array<i32>} : memref<200x128xi32, #tpu.memory_space<vmem>>, vector<16xi32>,
    %swap3A_21 = arith.constant 0 : i32
    %swap3A_22 = arith.index_cast %swap3A_21 : i32 to index
    %swap3A_23 = arith.constant 32 : index
    %swap3A_24 = tpu.vector_load %arg6[%swap3A_22, %swap3A_23] {strides = array<i32>} : memref<4x128xi32, #tpu.memory_space<vmem>>, vector<16xi32>,
    tpu.vector_store %arg6[%swap3A_22, %swap3A_23], %get3A_20 {strides = array<i32>} : memref<4x128xi32, #tpu.memory_space<vmem>>, vector<16xi32>,
    %get3A_25 = arith.constant 0 : i32
    %get3A_26 = arith.index_cast %get3A_25 : i32 to index
    %get3A_27 = arith.constant 48 : index
    %get3A_28 = tpu.vector_load %arg5[%get3A_26, %get3A_27] {strides = array<i32>} : memref<200x128xi32, #tpu.memory_space<vmem>>, vector<16xi32>,
    %swap3A_29 = arith.constant 0 : i32
    %swap3A_30 = arith.index_cast %swap3A_29 : i32 to index
    %swap3A_31 = arith.constant 48 : index
    %swap3A_32 = tpu.vector_load %arg6[%swap3A_30, %swap3A_31] {strides = array<i32>} : memref<4x128xi32, #tpu.memory_space<vmem>>, vector<16xi32>,
    tpu.vector_store %arg6[%swap3A_30, %swap3A_31], %get3A_28 {strides = array<i32>} : memref<4x128xi32, #tpu.memory_space<vmem>>, vector<16xi32>,
    %get3A_33 = arith.constant 0 : i32
    %get3A_34 = arith.index_cast %get3A_33 : i32 to index
    %get3A_35 = arith.constant 64 : index
    %get3A_36 = tpu.vector_load %arg5[%get3A_34, %get3A_35] {strides = array<i32>} : memref<200x128xi32, #tpu.memory_space<vmem>>, vector<16xi32>,
    %swap3A_37 = arith.constant 0 : i32
    %swap3A_38 = arith.index_cast %swap3A_37 : i32 to index
    %swap3A_39 = arith.constant 64 : index
    %swap3A_40 = tpu.vector_load %arg6[%swap3A_38, %swap3A_39] {strides = array<i32>} : memref<4x128xi32, #tpu.memory_space<vmem>>, vector<16xi32>,
    tpu.vector_store %arg6[%swap3A_38, %swap3A_39], %get3A_36 {strides = array<i32>} : memref<4x128xi32, #tpu.memory_space<vmem>>, vector<16xi32>,
    %get3A_41 = arith.constant 0 : i32
    %get3A_42 = arith.index_cast %get3A_41 : i32 to index
    %get3A_43 = arith.constant 80 : index
    %get3A_44 = tpu.vector_load %arg5[%get3A_42, %get3A_43] {strides = array<i32>} : memref<200x128xi32, #tpu.memory_space<vmem>>, vector<16xi32>,
    %swap3A_45 = arith.constant 0 : i32
    %swap3A_46 = arith.index_cast %swap3A_45 : i32 to index
    %swap3A_47 = arith.constant 80 : index
    %swap3A_48 = tpu.vector_load %arg6[%swap3A_46, %swap3A_47] {strides = array<i32>} : memref<4x128xi32, #tpu.memory_space<vmem>>, vector<16xi32>,
    tpu.vector_store %arg6[%swap3A_46, %swap3A_47], %get3A_44 {strides = array<i32>} : memref<4x128xi32, #tpu.memory_space<vmem>>, vector<16xi32>,
    %get3A_49 = arith.constant 0 : i32
    %get3A_50 = arith.index_cast %get3A_49 : i32 to index
    %get3A_51 = arith.constant 96 : index
    %get3A_52 = tpu.vector_load %arg5[%get3A_50, %get3A_51] {strides = array<i32>} : memref<200x128xi32, #tpu.memory_space<vmem>>, vector<16xi32>,
    %swap3A_53 = arith.constant 0 : i32
    %swap3A_54 = arith.index_cast %swap3A_53 : i32 to index
    %swap3A_55 = arith.constant 96 : index
    %swap3A_56 = tpu.vector_load %arg6[%swap3A_54, %swap3A_55] {strides = array<i32>} : memref<4x128xi32, #tpu.memory_space<vmem>>, vector<16xi32>,
    tpu.vector_store %arg6[%swap3A_54, %swap3A_55], %get3A_52 {strides = array<i32>} : memref<4x128xi32, #tpu.memory_space<vmem>>, vector<16xi32>,
    %get3A_57 = arith.constant 0 : i32
    %get3A_58 = arith.index_cast %get3A_57 : i32 to index
    %get3A_59 = arith.constant 112 : index
    %get3A_60 = tpu.vector_load %arg5[%get3A_58, %get3A_59] {strides = array<i32>} : memref<200x128xi32, #tpu.memory_space<vmem>>, vector<16xi32>,
    %swap3A_61 = arith.constant 0 : i32
    %swap3A_62 = arith.index_cast %swap3A_61 : i32 to index
    %swap3A_63 = arith.constant 112 : index
    %swap3A_64 = tpu.vector_load %arg6[%swap3A_62, %swap3A_63] {strides = array<i32>} : memref<4x128xi32, #tpu.memory_space<vmem>>, vector<16xi32>,
    tpu.vector_store %arg6[%swap3A_62, %swap3A_63], %get3A_60 {strides = array<i32>} : memref<4x128xi32, #tpu.memory_space<vmem>>, vector<16xi32>,
    %dma_start3A = arith.constant 0 : i32
    %dma_start3A_65 = arith.constant 0 : i32
    %dma_start3A_66 = arith.constant 0 : i32
    %dma_start3A_67 = arith.constant 0 : i32
    %dma_start3A_68 = tpu.memref_slice %arg7[%dma_start3A_65, %dma_start3A_66, %dma_start3A_67] : memref<4x128x128xf32, #tpu.memory_space<vmem>> -> memref<1x128x128xf32, #tpu.memory_space<vmem>>
    %dma_start3A_69 = tpu.memref_squeeze %dma_start3A_68 : memref<1x128x128xf32, #tpu.memory_space<vmem>> -> memref<128x128xf32, #tpu.memory_space<vmem>>
    %dma_start3A_70 = arith.constant 0 : i32
    %dma_start3A_71 = tpu.memref_slice %arg6[%dma_start3A, %dma_start3A_70] : memref<4x128xi32, #tpu.memory_space<vmem>> -> memref<1x128xi32, #tpu.memory_space<vmem>>
    %dma_start3A_72 = tpu.memref_squeeze %dma_start3A_71 : memref<1x128xi32, #tpu.memory_space<vmem>> -> memref<128xi32, #tpu.memory_space<vmem>>
    %dma_start3A_73 = arith.constant 0 : i32
    %dma_start3A_74 = arith.constant 0 : i32
    %dma_start3A_75 = tpu.memref_slice %arg3[%dma_start3A_73, %dma_start3A_74] : memref<1000000x128xf32, #tpu.memory_space<hbm>> -> memref<1000000x128xf32, #tpu.memory_space<hbm>>
    tpu.enqueue_indirect_dma source(%dma_start3A_75 : memref<1000000x128xf32, #tpu.memory_space<hbm>>) target(%dma_start3A_69 : memref<128x128xf32, #tpu.memory_space<vmem>>) offsets(%dma_start3A_72 : memref<128xi32, #tpu.memory_space<vmem>>) semaphore(%arg8 : memref<!tpu.dma_semaphore, #tpu.memory_space<semaphore_mem>>)
    %get3A_76 = arith.constant 1 : i32
    %get3A_77 = arith.index_cast %get3A_76 : i32 to index
    %get3A_78 = arith.constant 0 : index
    %get3A_79 = tpu.vector_load %arg5[%get3A_77, %get3A_78] {strides = array<i32>} : memref<200x128xi32, #tpu.memory_space<vmem>>, vector<16xi32>,
    %swap3A_80 = arith.constant 1 : i32
    %swap3A_81 = arith.index_cast %swap3A_80 : i32 to index
    %swap3A_82 = arith.constant 0 : index
    %swap3A_83 = tpu.vector_load %arg6[%swap3A_81, %swap3A_82] {strides = array<i32>} : memref<4x128xi32, #tpu.memory_space<vmem>>, vector<16xi32>,
    tpu.vector_store %arg6[%swap3A_81, %swap3A_82], %get3A_79 {strides = array<i32>} : memref<4x128xi32, #tpu.memory_space<vmem>>, vector<16xi32>,
    %get3A_84 = arith.constant 1 : i32
    %get3A_85 = arith.index_cast %get3A_84 : i32 to index
    %get3A_86 = arith.constant 16 : index
    %get3A_87 = tpu.vector_load %arg5[%get3A_85, %get3A_86] {strides = array<i32>} : memref<200x128xi32, #tpu.memory_space<vmem>>, vector<16xi32>,
    %swap3A_88 = arith.constant 1 : i32
    %swap3A_89 = arith.index_cast %swap3A_88 : i32 to index
    %swap3A_90 = arith.constant 16 : index
    %swap3A_91 = tpu.vector_load %arg6[%swap3A_89, %swap3A_90] {strides = array<i32>} : memref<4x128xi32, #tpu.memory_space<vmem>>, vector<16xi32>,
    tpu.vector_store %arg6[%swap3A_89, %swap3A_90], %get3A_87 {strides = array<i32>} : memref<4x128xi32, #tpu.memory_space<vmem>>, vector<16xi32>,
    %get3A_92 = arith.constant 1 : i32
    %get3A_93 = arith.index_cast %get3A_92 : i32 to index
    %get3A_94 = arith.constant 32 : index
    %get3A_95 = tpu.vector_load %arg5[%get3A_93, %get3A_94] {strides = array<i32>} : memref<200x128xi32, #tpu.memory_space<vmem>>, vector<16xi32>,
    %swap3A_96 = arith.constant 1 : i32
    %swap3A_97 = arith.index_cast %swap3A_96 : i32 to index
    %swap3A_98 = arith.constant 32 : index
    %swap3A_99 = tpu.vector_load %arg6[%swap3A_97, %swap3A_98] {strides = array<i32>} : memref<4x128xi32, #tpu.memory_space<vmem>>, vector<16xi32>,
    tpu.vector_store %arg6[%swap3A_97, %swap3A_98], %get3A_95 {strides = array<i32>} : memref<4x128xi32, #tpu.memory_space<vmem>>, vector<16xi32>,
    %get3A_100 = arith.constant 1 : i32
    %get3A_101 = arith.index_cast %get3A_100 : i32 to index
    %get3A_102 = arith.constant 48 : index
    %get3A_103 = tpu.vector_load %arg5[%get3A_101, %get3A_102] {strides = array<i32>} : memref<200x128xi32, #tpu.memory_space<vmem>>, vector<16xi32>,
    %swap3A_104 = arith.constant 1 : i32
    %swap3A_105 = arith.index_cast %swap3A_104 : i32 to index
    %swap3A_106 = arith.constant 48 : index
    %swap3A_107 = tpu.vector_load %arg6[%swap3A_105, %swap3A_106] {strides = array<i32>} : memref<4x128xi32, #tpu.memory_space<vmem>>, vector<16xi32>,
    tpu.vector_store %arg6[%swap3A_105, %swap3A_106], %get3A_103 {strides = array<i32>} : memref<4x128xi32, #tpu.memory_space<vmem>>, vector<16xi32>,
    %get3A_108 = arith.constant 1 : i32
    %get3A_109 = arith.index_cast %get3A_108 : i32 to index
    %get3A_110 = arith.constant 64 : index
    %get3A_111 = tpu.vector_load %arg5[%get3A_109, %get3A_110] {strides = array<i32>} : memref<200x128xi32, #tpu.memory_space<vmem>>, vector<16xi32>,
    %swap3A_112 = arith.constant 1 : i32
    %swap3A_113 = arith.index_cast %swap3A_112 : i32 to index
    %swap3A_114 = arith.constant 64 : index
    %swap3A_115 = tpu.vector_load %arg6[%swap3A_113, %swap3A_114] {strides = array<i32>} : memref<4x128xi32, #tpu.memory_space<vmem>>, vector<16xi32>,
    tpu.vector_store %arg6[%swap3A_113, %swap3A_114], %get3A_111 {strides = array<i32>} : memref<4x128xi32, #tpu.memory_space<vmem>>, vector<16xi32>,
    %get3A_116 = arith.constant 1 : i32
    %get3A_117 = arith.index_cast %get3A_116 : i32 to index
    %get3A_118 = arith.constant 80 : index
    %get3A_119 = tpu.vector_load %arg5[%get3A_117, %get3A_118] {strides = array<i32>} : memref<200x128xi32, #tpu.memory_space<vmem>>, vector<16xi32>,
    %swap3A_120 = arith.constant 1 : i32
    %swap3A_121 = arith.index_cast %swap3A_120 : i32 to index
    %swap3A_122 = arith.constant 80 : index
    %swap3A_123 = tpu.vector_load %arg6[%swap3A_121, %swap3A_122] {strides = array<i32>} : memref<4x128xi32, #tpu.memory_space<vmem>>, vector<16xi32>,
    tpu.vector_store %arg6[%swap3A_121, %swap3A_122], %get3A_119 {strides = array<i32>} : memref<4x128xi32, #tpu.memory_space<vmem>>, vector<16xi32>,
    %get3A_124 = arith.constant 1 : i32
    %get3A_125 = arith.index_cast %get3A_124 : i32 to index
    %get3A_126 = arith.constant 96 : index
    %get3A_127 = tpu.vector_load %arg5[%get3A_125, %get3A_126] {strides = array<i32>} : memref<200x128xi32, #tpu.memory_space<vmem>>, vector<16xi32>,
    %swap3A_128 = arith.constant 1 : i32
    %swap3A_129 = arith.index_cast %swap3A_128 : i32 to index
    %swap3A_130 = arith.constant 96 : index
    %swap3A_131 = tpu.vector_load %arg6[%swap3A_129, %swap3A_130] {strides = array<i32>} : memref<4x128xi32, #tpu.memory_space<vmem>>, vector<16xi32>,
    tpu.vector_store %arg6[%swap3A_129, %swap3A_130], %get3A_127 {strides = array<i32>} : memref<4x128xi32, #tpu.memory_space<vmem>>, vector<16xi32>,
    %get3A_132 = arith.constant 1 : i32
    %get3A_133 = arith.index_cast %get3A_132 : i32 to index
    %get3A_134 = arith.constant 112 : index
    %get3A_135 = tpu.vector_load %arg5[%get3A_133, %get3A_134] {strides = array<i32>} : memref<200x128xi32, #tpu.memory_space<vmem>>, vector<16xi32>,
    %swap3A_136 = arith.constant 1 : i32
    %swap3A_137 = arith.index_cast %swap3A_136 : i32 to index
    %swap3A_138 = arith.constant 112 : index
    %swap3A_139 = tpu.vector_load %arg6[%swap3A_137, %swap3A_138] {strides = array<i32>} : memref<4x128xi32, #tpu.memory_space<vmem>>, vector<16xi32>,
    tpu.vector_store %arg6[%swap3A_137, %swap3A_138], %get3A_135 {strides = array<i32>} : memref<4x128xi32, #tpu.memory_space<vmem>>, vector<16xi32>,
    %dma_start3A_140 = arith.constant 1 : i32
    %dma_start3A_141 = arith.constant 1 : i32
    %dma_start3A_142 = arith.constant 0 : i32
    %dma_start3A_143 = arith.constant 0 : i32
    %dma_start3A_144 = tpu.memref_slice %arg7[%dma_start3A_141, %dma_start3A_142, %dma_start3A_143] : memref<4x128x128xf32, #tpu.memory_space<vmem>> -> memref<1x128x128xf32, #tpu.memory_space<vmem>>
    %dma_start3A_145 = tpu.memref_squeeze %dma_start3A_144 : memref<1x128x128xf32, #tpu.memory_space<vmem>> -> memref<128x128xf32, #tpu.memory_space<vmem>>
    %dma_start3A_146 = arith.constant 0 : i32
    %dma_start3A_147 = tpu.memref_slice %arg6[%dma_start3A_140, %dma_start3A_146] : memref<4x128xi32, #tpu.memory_space<vmem>> -> memref<1x128xi32, #tpu.memory_space<vmem>>
    %dma_start3A_148 = tpu.memref_squeeze %dma_start3A_147 : memref<1x128xi32, #tpu.memory_space<vmem>> -> memref<128xi32, #tpu.memory_space<vmem>>
    %dma_start3A_149 = arith.constant 0 : i32
    %dma_start3A_150 = arith.constant 0 : i32
    %dma_start3A_151 = tpu.memref_slice %arg3[%dma_start3A_149, %dma_start3A_150] : memref<1000000x128xf32, #tpu.memory_space<hbm>> -> memref<1000000x128xf32, #tpu.memory_space<hbm>>
    tpu.enqueue_indirect_dma source(%dma_start3A_151 : memref<1000000x128xf32, #tpu.memory_space<hbm>>) target(%dma_start3A_145 : memref<128x128xf32, #tpu.memory_space<vmem>>) offsets(%dma_start3A_148 : memref<128xi32, #tpu.memory_space<vmem>>) semaphore(%arg8 : memref<!tpu.dma_semaphore, #tpu.memory_space<semaphore_mem>>)
    %scan3A = arith.constant 0 : i32
    %scan3A_152 = arith.constant 0 : i32
    %scan3A_153 = arith.constant 50 : i32
    %scan3A_154 = arith.addi %scan3A_152, %scan3A_153 : i32
    %scan3A_155 = arith.constant 1 : i32
    scf.for %scan3A_186 = %scan3A_152 to %scan3A_154 step %scan3A_155  : i32 {
      %mul3A_187 = arith.constant 4 : i32
      %mul3A_188 = arith.muli %scan3A_186, %mul3A_187 : i32
      %add3A_189 = arith.constant 0 : i32
      %add3A_190 = arith.addi %mul3A_188, %add3A_189 : i32
      %dma_wait3A_191 = arith.constant 0 : i32
      %dma_wait3A_192 = arith.constant 0 : i32
      %dma_wait3A_193 = arith.constant 0 : i32
      %dma_wait3A_194 = arith.constant 0 : i32
      %dma_wait3A_195 = tpu.memref_slice %arg7[%dma_wait3A_192, %dma_wait3A_193, %dma_wait3A_194] : memref<4x128x128xf32, #tpu.memory_space<vmem>> -> memref<1x128x128xf32, #tpu.memory_space<vmem>>
      %dma_wait3A_196 = tpu.memref_squeeze %dma_wait3A_195 : memref<1x128x128xf32, #tpu.memory_space<vmem>> -> memref<128x128xf32, #tpu.memory_space<vmem>>
      %dma_wait3A_197 = arith.constant 0 : i32
      %dma_wait3A_198 = tpu.memref_slice %arg6[%dma_wait3A_191, %dma_wait3A_197] : memref<4x128xi32, #tpu.memory_space<vmem>> -> memref<1x128xi32, #tpu.memory_space<vmem>>
      %dma_wait3A_199 = tpu.memref_squeeze %dma_wait3A_198 : memref<1x128xi32, #tpu.memory_space<vmem>> -> memref<128xi32, #tpu.memory_space<vmem>>
      %dma_wait3A_200 = arith.constant 0 : i32
      %dma_wait3A_201 = arith.constant 0 : i32
      %dma_wait3A_202 = tpu.memref_slice %arg3[%dma_wait3A_200, %dma_wait3A_201] : memref<1000000x128xf32, #tpu.memory_space<hbm>> -> memref<1000000x128xf32, #tpu.memory_space<hbm>>
      tpu.wait_indirect_dma semaphore(%arg8 : memref<!tpu.dma_semaphore, #tpu.memory_space<semaphore_mem>>) src(%dma_wait3A_202 : memref<1000000x128xf32, #tpu.memory_space<hbm>>) dst(%dma_wait3A_196 : memref<128x128xf32, #tpu.memory_space<vmem>>)
      %mul3A_203 = arith.constant 128 : i32
      %mul3A_204 = arith.muli %add3A_190, %mul3A_203 : i32
      %add3A_205 = arith.addi %mul3A_2, %mul3A_204 : i32
      %dma_start3A_206 = arith.constant 0 : i32
      %dma_start3A_207 = arith.constant 0 : i32
      %dma_start3A_208 = arith.constant 0 : i32
      %dma_start3A_209 = tpu.memref_slice %arg7[%dma_start3A_206, %dma_start3A_207, %dma_start3A_208] : memref<4x128x128xf32, #tpu.memory_space<vmem>> -> memref<1x128x128xf32, #tpu.memory_space<vmem>>
      %dma_start3A_210 = tpu.memref_squeeze %dma_start3A_209 : memref<1x128x128xf32, #tpu.memory_space<vmem>> -> memref<128x128xf32, #tpu.memory_space<vmem>>
      %dma_start3A_211 = arith.constant 0 : i32
      %dma_start3A_212 = tpu.memref_slice %arg4[%add3A_205, %dma_start3A_211] : memref<819200x128xf32, #tpu.memory_space<hbm>> -> memref<128x128xf32, #tpu.memory_space<hbm>>
      %dma_start3A_213 = arith.constant 0 : i32
      %dma_start3A_214 = tpu.memref_slice %arg4[%add3A_205, %dma_start3A_213] : memref<819200x128xf32, #tpu.memory_space<hbm>> -> memref<128x128xf32, #tpu.memory_space<hbm>>
      %dma_start3A_215 = arith.constant 0 : i32
      %dma_start3A_216 = arith.constant 0 : i32
      %dma_start3A_217 = tpu.memref_slice %arg7[%dma_start3A_206, %dma_start3A_215, %dma_start3A_216] : memref<4x128x128xf32, #tpu.memory_space<vmem>> -> memref<1x128x128xf32, #tpu.memory_space<vmem>>
      %dma_start3A_218 = tpu.memref_squeeze %dma_start3A_217 : memref<1x128x128xf32, #tpu.memory_space<vmem>> -> memref<128x128xf32, #tpu.memory_space<vmem>>
      tpu.enqueue_dma source(%dma_start3A_218 : memref<128x128xf32, #tpu.memory_space<vmem>>) target(%dma_start3A_214 : memref<128x128xf32, #tpu.memory_space<hbm>>) target_semaphore(%arg9 : memref<!tpu.dma_semaphore, #tpu.memory_space<semaphore_mem>>)
      %ge3A = arith.constant 2 : i32
      %ge3A_219 = arith.cmpi sge, %add3A_190, %ge3A : i32
      %convert_element_type3A = arith.extui %ge3A_219 : i1 to i32
      %cond3A = arith.constant 0 : i32
      %cond3A_220 = arith.cmpi ne, %convert_element_type3A, %cond3A : i32
      scf.if %cond3A_220 {
        %sub3A = arith.constant 2 : i32
        %sub3A_359 = arith.subi %add3A_190, %sub3A : i32
        %mul3A_360 = arith.constant 128 : i32
        %mul3A_361 = arith.muli %sub3A_359, %mul3A_360 : i32
        %add3A_362 = arith.addi %mul3A_2, %mul3A_361 : i32
        %dma_wait3A_363 = arith.constant 2 : i32
        %dma_wait3A_364 = arith.constant 0 : i32
        %dma_wait3A_365 = arith.constant 0 : i32
        %dma_wait3A_366 = tpu.memref_slice %arg7[%dma_wait3A_363, %dma_wait3A_364, %dma_wait3A_365] : memref<4x128x128xf32, #tpu.memory_space<vmem>> -> memref<1x128x128xf32, #tpu.memory_space<vmem>>
        %dma_wait3A_367 = tpu.memref_squeeze %dma_wait3A_366 : memref<1x128x128xf32, #tpu.memory_space<vmem>> -> memref<128x128xf32, #tpu.memory_space<vmem>>
        %dma_wait3A_368 = arith.constant 0 : i32
        %dma_wait3A_369 = tpu.memref_slice %arg4[%add3A_362, %dma_wait3A_368] : memref<819200x128xf32, #tpu.memory_space<hbm>> -> memref<128x128xf32, #tpu.memory_space<hbm>>
        %dma_wait3A_370 = arith.constant 0 : i32
        %dma_wait3A_371 = tpu.memref_slice %arg4[%add3A_362, %dma_wait3A_370] : memref<819200x128xf32, #tpu.memory_space<hbm>> -> memref<128x128xf32, #tpu.memory_space<hbm>>
        %dma_wait3A_372 = arith.constant 0 : i32
        %dma_wait3A_373 = arith.constant 0 : i32
        %dma_wait3A_374 = tpu.memref_slice %arg7[%dma_wait3A_363, %dma_wait3A_372, %dma_wait3A_373] : memref<4x128x128xf32, #tpu.memory_space<vmem>> -> memref<1x128x128xf32, #tpu.memory_space<vmem>>
        %dma_wait3A_375 = tpu.memref_squeeze %dma_wait3A_374 : memref<1x128x128xf32, #tpu.memory_space<vmem>> -> memref<128x128xf32, #tpu.memory_space<vmem>>
        tpu.wait_dma2 semaphore(%arg9 : memref<!tpu.dma_semaphore, #tpu.memory_space<semaphore_mem>>) src(%dma_wait3A_375 : memref<128x128xf32, #tpu.memory_space<vmem>>) dst(%dma_wait3A_371 : memref<128x128xf32, #tpu.memory_space<hbm>>)
      } else {
      }
      %add3A_221 = arith.constant 2 : i32
      %add3A_222 = arith.addi %add3A_190, %add3A_221 : i32
      %lt3A = arith.constant 200 : i32
      %lt3A_223 = arith.cmpi slt, %add3A_222, %lt3A : i32
      %convert_element_type3A_224 = arith.extui %lt3A_223 : i1 to i32
      %cond3A_225 = arith.constant 0 : i32
      %cond3A_226 = arith.cmpi ne, %convert_element_type3A_224, %cond3A_225 : i32
      scf.if %cond3A_226 {
        %add3A_359 = arith.constant 2 : i32
        %add3A_360 = arith.addi %add3A_190, %add3A_359 : i32
        %get3A_361 = arith.index_cast %add3A_360 : i32 to index
        %get3A_362 = arith.constant 0 : index
        %get3A_363 = tpu.vector_load %arg5[%get3A_361, %get3A_362] {strides = array<i32>} : memref<200x128xi32, #tpu.memory_space<vmem>>, vector<16xi32>,
        %swap3A_364 = arith.constant 2 : i32
        %swap3A_365 = arith.index_cast %swap3A_364 : i32 to index
        %swap3A_366 = arith.constant 0 : index
        %swap3A_367 = tpu.vector_load %arg6[%swap3A_365, %swap3A_366] {strides = array<i32>} : memref<4x128xi32, #tpu.memory_space<vmem>>, vector<16xi32>,
        tpu.vector_store %arg6[%swap3A_365, %swap3A_366], %get3A_363 {strides = array<i32>} : memref<4x128xi32, #tpu.memory_space<vmem>>, vector<16xi32>,
        %get3A_368 = arith.index_cast %add3A_360 : i32 to index
        %get3A_369 = arith.constant 16 : index
        %get3A_370 = tpu.vector_load %arg5[%get3A_368, %get3A_369] {strides = array<i32>} : memref<200x128xi32, #tpu.memory_space<vmem>>, vector<16xi32>,
        %swap3A_371 = arith.constant 2 : i32
        %swap3A_372 = arith.index_cast %swap3A_371 : i32 to index
        %swap3A_373 = arith.constant 16 : index
        %swap3A_374 = tpu.vector_load %arg6[%swap3A_372, %swap3A_373] {strides = array<i32>} : memref<4x128xi32, #tpu.memory_space<vmem>>, vector<16xi32>,
        tpu.vector_store %arg6[%swap3A_372, %swap3A_373], %get3A_370 {strides = array<i32>} : memref<4x128xi32, #tpu.memory_space<vmem>>, vector<16xi32>,
        %get3A_375 = arith.index_cast %add3A_360 : i32 to index
        %get3A_376 = arith.constant 32 : index
        %get3A_377 = tpu.vector_load %arg5[%get3A_375, %get3A_376] {strides = array<i32>} : memref<200x128xi32, #tpu.memory_space<vmem>>, vector<16xi32>,
        %swap3A_378 = arith.constant 2 : i32
        %swap3A_379 = arith.index_cast %swap3A_378 : i32 to index
        %swap3A_380 = arith.constant 32 : index
        %swap3A_381 = tpu.vector_load %arg6[%swap3A_379, %swap3A_380] {strides = array<i32>} : memref<4x128xi32, #tpu.memory_space<vmem>>, vector<16xi32>,
        tpu.vector_store %arg6[%swap3A_379, %swap3A_380], %get3A_377 {strides = array<i32>} : memref<4x128xi32, #tpu.memory_space<vmem>>, vector<16xi32>,
        %get3A_382 = arith.index_cast %add3A_360 : i32 to index
        %get3A_383 = arith.constant 48 : index
        %get3A_384 = tpu.vector_load %arg5[%get3A_382, %get3A_383] {strides = array<i32>} : memref<200x128xi32, #tpu.memory_space<vmem>>, vector<16xi32>,
        %swap3A_385 = arith.constant 2 : i32
        %swap3A_386 = arith.index_cast %swap3A_385 : i32 to index
        %swap3A_387 = arith.constant 48 : index
        %swap3A_388 = tpu.vector_load %arg6[%swap3A_386, %swap3A_387] {strides = array<i32>} : memref<4x128xi32, #tpu.memory_space<vmem>>, vector<16xi32>,
        tpu.vector_store %arg6[%swap3A_386, %swap3A_387], %get3A_384 {strides = array<i32>} : memref<4x128xi32, #tpu.memory_space<vmem>>, vector<16xi32>,
        %get3A_389 = arith.index_cast %add3A_360 : i32 to index
        %get3A_390 = arith.constant 64 : index
        %get3A_391 = tpu.vector_load %arg5[%get3A_389, %get3A_390] {strides = array<i32>} : memref<200x128xi32, #tpu.memory_space<vmem>>, vector<16xi32>,
        %swap3A_392 = arith.constant 2 : i32
        %swap3A_393 = arith.index_cast %swap3A_392 : i32 to index
        %swap3A_394 = arith.constant 64 : index
        %swap3A_395 = tpu.vector_load %arg6[%swap3A_393, %swap3A_394] {strides = array<i32>} : memref<4x128xi32, #tpu.memory_space<vmem>>, vector<16xi32>,
        tpu.vector_store %arg6[%swap3A_393, %swap3A_394], %get3A_391 {strides = array<i32>} : memref<4x128xi32, #tpu.memory_space<vmem>>, vector<16xi32>,
        %get3A_396 = arith.index_cast %add3A_360 : i32 to index
        %get3A_397 = arith.constant 80 : index
        %get3A_398 = tpu.vector_load %arg5[%get3A_396, %get3A_397] {strides = array<i32>} : memref<200x128xi32, #tpu.memory_space<vmem>>, vector<16xi32>,
        %swap3A_399 = arith.constant 2 : i32
        %swap3A_400 = arith.index_cast %swap3A_399 : i32 to index
        %swap3A_401 = arith.constant 80 : index
        %swap3A_402 = tpu.vector_load %arg6[%swap3A_400, %swap3A_401] {strides = array<i32>} : memref<4x128xi32, #tpu.memory_space<vmem>>, vector<16xi32>,
        tpu.vector_store %arg6[%swap3A_400, %swap3A_401], %get3A_398 {strides = array<i32>} : memref<4x128xi32, #tpu.memory_space<vmem>>, vector<16xi32>,
        %get3A_403 = arith.index_cast %add3A_360 : i32 to index
        %get3A_404 = arith.constant 96 : index
        %get3A_405 = tpu.vector_load %arg5[%get3A_403, %get3A_404] {strides = array<i32>} : memref<200x128xi32, #tpu.memory_space<vmem>>, vector<16xi32>,
        %swap3A_406 = arith.constant 2 : i32
        %swap3A_407 = arith.index_cast %swap3A_406 : i32 to index
        %swap3A_408 = arith.constant 96 : index
        %swap3A_409 = tpu.vector_load %arg6[%swap3A_407, %swap3A_408] {strides = array<i32>} : memref<4x128xi32, #tpu.memory_space<vmem>>, vector<16xi32>,
        tpu.vector_store %arg6[%swap3A_407, %swap3A_408], %get3A_405 {strides = array<i32>} : memref<4x128xi32, #tpu.memory_space<vmem>>, vector<16xi32>,
        %get3A_410 = arith.index_cast %add3A_360 : i32 to index
        %get3A_411 = arith.constant 112 : index
        %get3A_412 = tpu.vector_load %arg5[%get3A_410, %get3A_411] {strides = array<i32>} : memref<200x128xi32, #tpu.memory_space<vmem>>, vector<16xi32>,
        %swap3A_413 = arith.constant 2 : i32
        %swap3A_414 = arith.index_cast %swap3A_413 : i32 to index
        %swap3A_415 = arith.constant 112 : index
        %swap3A_416 = tpu.vector_load %arg6[%swap3A_414, %swap3A_415] {strides = array<i32>} : memref<4x128xi32, #tpu.memory_space<vmem>>, vector<16xi32>,
        tpu.vector_store %arg6[%swap3A_414, %swap3A_415], %get3A_412 {strides = array<i32>} : memref<4x128xi32, #tpu.memory_space<vmem>>, vector<16xi32>,
        %dma_start3A_417 = arith.constant 2 : i32
        %dma_start3A_418 = arith.constant 2 : i32
        %dma_start3A_419 = arith.constant 0 : i32
        %dma_start3A_420 = arith.constant 0 : i32
        %dma_start3A_421 = tpu.memref_slice %arg7[%dma_start3A_418, %dma_start3A_419, %dma_start3A_420] : memref<4x128x128xf32, #tpu.memory_space<vmem>> -> memref<1x128x128xf32, #tpu.memory_space<vmem>>
        %dma_start3A_422 = tpu.memref_squeeze %dma_start3A_421 : memref<1x128x128xf32, #tpu.memory_space<vmem>> -> memref<128x128xf32, #tpu.memory_space<vmem>>
        %dma_start3A_423 = arith.constant 0 : i32
        %dma_start3A_424 = tpu.memref_slice %arg6[%dma_start3A_417, %dma_start3A_423] : memref<4x128xi32, #tpu.memory_space<vmem>> -> memref<1x128xi32, #tpu.memory_space<vmem>>
        %dma_start3A_425 = tpu.memref_squeeze %dma_start3A_424 : memref<1x128xi32, #tpu.memory_space<vmem>> -> memref<128xi32, #tpu.memory_space<vmem>>
        %dma_start3A_426 = arith.constant 0 : i32
        %dma_start3A_427 = arith.constant 0 : i32
        %dma_start3A_428 = tpu.memref_slice %arg3[%dma_start3A_426, %dma_start3A_427] : memref<1000000x128xf32, #tpu.memory_space<hbm>> -> memref<1000000x128xf32, #tpu.memory_space<hbm>>
        tpu.enqueue_indirect_dma source(%dma_start3A_428 : memref<1000000x128xf32, #tpu.memory_space<hbm>>) target(%dma_start3A_422 : memref<128x128xf32, #tpu.memory_space<vmem>>) offsets(%dma_start3A_425 : memref<128xi32, #tpu.memory_space<vmem>>) semaphore(%arg8 : memref<!tpu.dma_semaphore, #tpu.memory_space<semaphore_mem>>)
      } else {
      }
      %mul3A_227 = arith.constant 4 : i32
      %mul3A_228 = arith.muli %scan3A_186, %mul3A_227 : i32
      %add3A_229 = arith.constant 1 : i32
      %add3A_230 = arith.addi %mul3A_228, %add3A_229 : i32
      %dma_wait3A_231 = arith.constant 1 : i32
      %dma_wait3A_232 = arith.constant 1 : i32
      %dma_wait3A_233 = arith.constant 0 : i32
      %dma_wait3A_234 = arith.constant 0 : i32
      %dma_wait3A_235 = tpu.memref_slice %arg7[%dma_wait3A_232, %dma_wait3A_233, %dma_wait3A_234] : memref<4x128x128xf32, #tpu.memory_space<vmem>> -> memref<1x128x128xf32, #tpu.memory_space<vmem>>
      %dma_wait3A_236 = tpu.memref_squeeze %dma_wait3A_235 : memref<1x128x128xf32, #tpu.memory_space<vmem>> -> memref<128x128xf32, #tpu.memory_space<vmem>>
      %dma_wait3A_237 = arith.constant 0 : i32
      %dma_wait3A_238 = tpu.memref_slice %arg6[%dma_wait3A_231, %dma_wait3A_237] : memref<4x128xi32, #tpu.memory_space<vmem>> -> memref<1x128xi32, #tpu.memory_space<vmem>>
      %dma_wait3A_239 = tpu.memref_squeeze %dma_wait3A_238 : memref<1x128xi32, #tpu.memory_space<vmem>> -> memref<128xi32, #tpu.memory_space<vmem>>
      %dma_wait3A_240 = arith.constant 0 : i32
      %dma_wait3A_241 = arith.constant 0 : i32
      %dma_wait3A_242 = tpu.memref_slice %arg3[%dma_wait3A_240, %dma_wait3A_241] : memref<1000000x128xf32, #tpu.memory_space<hbm>> -> memref<1000000x128xf32, #tpu.memory_space<hbm>>
      tpu.wait_indirect_dma semaphore(%arg8 : memref<!tpu.dma_semaphore, #tpu.memory_space<semaphore_mem>>) src(%dma_wait3A_242 : memref<1000000x128xf32, #tpu.memory_space<hbm>>) dst(%dma_wait3A_236 : memref<128x128xf32, #tpu.memory_space<vmem>>)
      %mul3A_243 = arith.constant 128 : i32
      %mul3A_244 = arith.muli %add3A_230, %mul3A_243 : i32
      %add3A_245 = arith.addi %mul3A_2, %mul3A_244 : i32
      %dma_start3A_246 = arith.constant 1 : i32
      %dma_start3A_247 = arith.constant 0 : i32
      %dma_start3A_248 = arith.constant 0 : i32
      %dma_start3A_249 = tpu.memref_slice %arg7[%dma_start3A_246, %dma_start3A_247, %dma_start3A_248] : memref<4x128x128xf32, #tpu.memory_space<vmem>> -> memref<1x128x128xf32, #tpu.memory_space<vmem>>
      %dma_start3A_250 = tpu.memref_squeeze %dma_start3A_249 : memref<1x128x128xf32, #tpu.memory_space<vmem>> -> memref<128x128xf32, #tpu.memory_space<vmem>>
      %dma_start3A_251 = arith.constant 0 : i32
      %dma_start3A_252 = tpu.memref_slice %arg4[%add3A_245, %dma_start3A_251] : memref<819200x128xf32, #tpu.memory_space<hbm>> -> memref<128x128xf32, #tpu.memory_space<hbm>>
      %dma_start3A_253 = arith.constant 0 : i32
      %dma_start3A_254 = tpu.memref_slice %arg4[%add3A_245, %dma_start3A_253] : memref<819200x128xf32, #tpu.memory_space<hbm>> -> memref<128x128xf32, #tpu.memory_space<hbm>>
      %dma_start3A_255 = arith.constant 0 : i32
      %dma_start3A_256 = arith.constant 0 : i32
      %dma_start3A_257 = tpu.memref_slice %arg7[%dma_start3A_246, %dma_start3A_255, %dma_start3A_256] : memref<4x128x128xf32, #tpu.memory_space<vmem>> -> memref<1x128x128xf32, #tpu.memory_space<vmem>>
      %dma_start3A_258 = tpu.memref_squeeze %dma_start3A_257 : memref<1x128x128xf32, #tpu.memory_space<vmem>> -> memref<128x128xf32, #tpu.memory_space<vmem>>
      tpu.enqueue_dma source(%dma_start3A_258 : memref<128x128xf32, #tpu.memory_space<vmem>>) target(%dma_start3A_254 : memref<128x128xf32, #tpu.memory_space<hbm>>) target_semaphore(%arg9 : memref<!tpu.dma_semaphore, #tpu.memory_space<semaphore_mem>>)
      %ge3A_259 = arith.constant 2 : i32
      %ge3A_260 = arith.cmpi sge, %add3A_230, %ge3A_259 : i32
      %convert_element_type3A_261 = arith.extui %ge3A_260 : i1 to i32
      %cond3A_262 = arith.constant 0 : i32
      %cond3A_263 = arith.cmpi ne, %convert_element_type3A_261, %cond3A_262 : i32
      scf.if %cond3A_263 {
        %sub3A = arith.constant 2 : i32
        %sub3A_359 = arith.subi %add3A_230, %sub3A : i32
        %mul3A_360 = arith.constant 128 : i32
        %mul3A_361 = arith.muli %sub3A_359, %mul3A_360 : i32
        %add3A_362 = arith.addi %mul3A_2, %mul3A_361 : i32
        %dma_wait3A_363 = arith.constant 3 : i32
        %dma_wait3A_364 = arith.constant 0 : i32
        %dma_wait3A_365 = arith.constant 0 : i32
        %dma_wait3A_366 = tpu.memref_slice %arg7[%dma_wait3A_363, %dma_wait3A_364, %dma_wait3A_365] : memref<4x128x128xf32, #tpu.memory_space<vmem>> -> memref<1x128x128xf32, #tpu.memory_space<vmem>>
        %dma_wait3A_367 = tpu.memref_squeeze %dma_wait3A_366 : memref<1x128x128xf32, #tpu.memory_space<vmem>> -> memref<128x128xf32, #tpu.memory_space<vmem>>
        %dma_wait3A_368 = arith.constant 0 : i32
        %dma_wait3A_369 = tpu.memref_slice %arg4[%add3A_362, %dma_wait3A_368] : memref<819200x128xf32, #tpu.memory_space<hbm>> -> memref<128x128xf32, #tpu.memory_space<hbm>>
        %dma_wait3A_370 = arith.constant 0 : i32
        %dma_wait3A_371 = tpu.memref_slice %arg4[%add3A_362, %dma_wait3A_370] : memref<819200x128xf32, #tpu.memory_space<hbm>> -> memref<128x128xf32, #tpu.memory_space<hbm>>
        %dma_wait3A_372 = arith.constant 0 : i32
        %dma_wait3A_373 = arith.constant 0 : i32
        %dma_wait3A_374 = tpu.memref_slice %arg7[%dma_wait3A_363, %dma_wait3A_372, %dma_wait3A_373] : memref<4x128x128xf32, #tpu.memory_space<vmem>> -> memref<1x128x128xf32, #tpu.memory_space<vmem>>
        %dma_wait3A_375 = tpu.memref_squeeze %dma_wait3A_374 : memref<1x128x128xf32, #tpu.memory_space<vmem>> -> memref<128x128xf32, #tpu.memory_space<vmem>>
        tpu.wait_dma2 semaphore(%arg9 : memref<!tpu.dma_semaphore, #tpu.memory_space<semaphore_mem>>) src(%dma_wait3A_375 : memref<128x128xf32, #tpu.memory_space<vmem>>) dst(%dma_wait3A_371 : memref<128x128xf32, #tpu.memory_space<hbm>>)
      } else {
      }
      %add3A_264 = arith.constant 2 : i32
      %add3A_265 = arith.addi %add3A_230, %add3A_264 : i32
      %lt3A_266 = arith.constant 200 : i32
      %lt3A_267 = arith.cmpi slt, %add3A_265, %lt3A_266 : i32
      %convert_element_type3A_268 = arith.extui %lt3A_267 : i1 to i32
      %cond3A_269 = arith.constant 0 : i32
      %cond3A_270 = arith.cmpi ne, %convert_element_type3A_268, %cond3A_269 : i32
      scf.if %cond3A_270 {
        %add3A_359 = arith.constant 2 : i32
        %add3A_360 = arith.addi %add3A_230, %add3A_359 : i32
        %get3A_361 = arith.index_cast %add3A_360 : i32 to index
        %get3A_362 = arith.constant 0 : index
        %get3A_363 = tpu.vector_load %arg5[%get3A_361, %get3A_362] {strides = array<i32>} : memref<200x128xi32, #tpu.memory_space<vmem>>, vector<16xi32>,
        %swap3A_364 = arith.constant 3 : i32
        %swap3A_365 = arith.index_cast %swap3A_364 : i32 to index
        %swap3A_366 = arith.constant 0 : index
        %swap3A_367 = tpu.vector_load %arg6[%swap3A_365, %swap3A_366] {strides = array<i32>} : memref<4x128xi32, #tpu.memory_space<vmem>>, vector<16xi32>,
        tpu.vector_store %arg6[%swap3A_365, %swap3A_366], %get3A_363 {strides = array<i32>} : memref<4x128xi32, #tpu.memory_space<vmem>>, vector<16xi32>,
        %get3A_368 = arith.index_cast %add3A_360 : i32 to index
        %get3A_369 = arith.constant 16 : index
        %get3A_370 = tpu.vector_load %arg5[%get3A_368, %get3A_369] {strides = array<i32>} : memref<200x128xi32, #tpu.memory_space<vmem>>, vector<16xi32>,
        %swap3A_371 = arith.constant 3 : i32
        %swap3A_372 = arith.index_cast %swap3A_371 : i32 to index
        %swap3A_373 = arith.constant 16 : index
        %swap3A_374 = tpu.vector_load %arg6[%swap3A_372, %swap3A_373] {strides = array<i32>} : memref<4x128xi32, #tpu.memory_space<vmem>>, vector<16xi32>,
        tpu.vector_store %arg6[%swap3A_372, %swap3A_373], %get3A_370 {strides = array<i32>} : memref<4x128xi32, #tpu.memory_space<vmem>>, vector<16xi32>,
        %get3A_375 = arith.index_cast %add3A_360 : i32 to index
        %get3A_376 = arith.constant 32 : index
        %get3A_377 = tpu.vector_load %arg5[%get3A_375, %get3A_376] {strides = array<i32>} : memref<200x128xi32, #tpu.memory_space<vmem>>, vector<16xi32>,
        %swap3A_378 = arith.constant 3 : i32
        %swap3A_379 = arith.index_cast %swap3A_378 : i32 to index
        %swap3A_380 = arith.constant 32 : index
        %swap3A_381 = tpu.vector_load %arg6[%swap3A_379, %swap3A_380] {strides = array<i32>} : memref<4x128xi32, #tpu.memory_space<vmem>>, vector<16xi32>,
        tpu.vector_store %arg6[%swap3A_379, %swap3A_380], %get3A_377 {strides = array<i32>} : memref<4x128xi32, #tpu.memory_space<vmem>>, vector<16xi32>,
        %get3A_382 = arith.index_cast %add3A_360 : i32 to index
        %get3A_383 = arith.constant 48 : index
        %get3A_384 = tpu.vector_load %arg5[%get3A_382, %get3A_383] {strides = array<i32>} : memref<200x128xi32, #tpu.memory_space<vmem>>, vector<16xi32>,
        %swap3A_385 = arith.constant 3 : i32
        %swap3A_386 = arith.index_cast %swap3A_385 : i32 to index
        %swap3A_387 = arith.constant 48 : index
        %swap3A_388 = tpu.vector_load %arg6[%swap3A_386, %swap3A_387] {strides = array<i32>} : memref<4x128xi32, #tpu.memory_space<vmem>>, vector<16xi32>,
        tpu.vector_store %arg6[%swap3A_386, %swap3A_387], %get3A_384 {strides = array<i32>} : memref<4x128xi32, #tpu.memory_space<vmem>>, vector<16xi32>,
        %get3A_389 = arith.index_cast %add3A_360 : i32 to index
        %get3A_390 = arith.constant 64 : index
        %get3A_391 = tpu.vector_load %arg5[%get3A_389, %get3A_390] {strides = array<i32>} : memref<200x128xi32, #tpu.memory_space<vmem>>, vector<16xi32>,
        %swap3A_392 = arith.constant 3 : i32
        %swap3A_393 = arith.index_cast %swap3A_392 : i32 to index
        %swap3A_394 = arith.constant 64 : index
        %swap3A_395 = tpu.vector_load %arg6[%swap3A_393, %swap3A_394] {strides = array<i32>} : memref<4x128xi32, #tpu.memory_space<vmem>>, vector<16xi32>,
        tpu.vector_store %arg6[%swap3A_393, %swap3A_394], %get3A_391 {strides = array<i32>} : memref<4x128xi32, #tpu.memory_space<vmem>>, vector<16xi32>,
        %get3A_396 = arith.index_cast %add3A_360 : i32 to index
        %get3A_397 = arith.constant 80 : index
        %get3A_398 = tpu.vector_load %arg5[%get3A_396, %get3A_397] {strides = array<i32>} : memref<200x128xi32, #tpu.memory_space<vmem>>, vector<16xi32>,
        %swap3A_399 = arith.constant 3 : i32
        %swap3A_400 = arith.index_cast %swap3A_399 : i32 to index
        %swap3A_401 = arith.constant 80 : index
        %swap3A_402 = tpu.vector_load %arg6[%swap3A_400, %swap3A_401] {strides = array<i32>} : memref<4x128xi32, #tpu.memory_space<vmem>>, vector<16xi32>,
        tpu.vector_store %arg6[%swap3A_400, %swap3A_401], %get3A_398 {strides = array<i32>} : memref<4x128xi32, #tpu.memory_space<vmem>>, vector<16xi32>,
        %get3A_403 = arith.index_cast %add3A_360 : i32 to index
        %get3A_404 = arith.constant 96 : index
        %get3A_405 = tpu.vector_load %arg5[%get3A_403, %get3A_404] {strides = array<i32>} : memref<200x128xi32, #tpu.memory_space<vmem>>, vector<16xi32>,
        %swap3A_406 = arith.constant 3 : i32
        %swap3A_407 = arith.index_cast %swap3A_406 : i32 to index
        %swap3A_408 = arith.constant 96 : index
        %swap3A_409 = tpu.vector_load %arg6[%swap3A_407, %swap3A_408] {strides = array<i32>} : memref<4x128xi32, #tpu.memory_space<vmem>>, vector<16xi32>,
        tpu.vector_store %arg6[%swap3A_407, %swap3A_408], %get3A_405 {strides = array<i32>} : memref<4x128xi32, #tpu.memory_space<vmem>>, vector<16xi32>,
        %get3A_410 = arith.index_cast %add3A_360 : i32 to index
        %get3A_411 = arith.constant 112 : index
        %get3A_412 = tpu.vector_load %arg5[%get3A_410, %get3A_411] {strides = array<i32>} : memref<200x128xi32, #tpu.memory_space<vmem>>, vector<16xi32>,
        %swap3A_413 = arith.constant 3 : i32
        %swap3A_414 = arith.index_cast %swap3A_413 : i32 to index
        %swap3A_415 = arith.constant 112 : index
        %swap3A_416 = tpu.vector_load %arg6[%swap3A_414, %swap3A_415] {strides = array<i32>} : memref<4x128xi32, #tpu.memory_space<vmem>>, vector<16xi32>,
        tpu.vector_store %arg6[%swap3A_414, %swap3A_415], %get3A_412 {strides = array<i32>} : memref<4x128xi32, #tpu.memory_space<vmem>>, vector<16xi32>,
        %dma_start3A_417 = arith.constant 3 : i32
        %dma_start3A_418 = arith.constant 3 : i32
        %dma_start3A_419 = arith.constant 0 : i32
        %dma_start3A_420 = arith.constant 0 : i32
        %dma_start3A_421 = tpu.memref_slice %arg7[%dma_start3A_418, %dma_start3A_419, %dma_start3A_420] : memref<4x128x128xf32, #tpu.memory_space<vmem>> -> memref<1x128x128xf32, #tpu.memory_space<vmem>>
        %dma_start3A_422 = tpu.memref_squeeze %dma_start3A_421 : memref<1x128x128xf32, #tpu.memory_space<vmem>> -> memref<128x128xf32, #tpu.memory_space<vmem>>
        %dma_start3A_423 = arith.constant 0 : i32
        %dma_start3A_424 = tpu.memref_slice %arg6[%dma_start3A_417, %dma_start3A_423] : memref<4x128xi32, #tpu.memory_space<vmem>> -> memref<1x128xi32, #tpu.memory_space<vmem>>
        %dma_start3A_425 = tpu.memref_squeeze %dma_start3A_424 : memref<1x128xi32, #tpu.memory_space<vmem>> -> memref<128xi32, #tpu.memory_space<vmem>>
        %dma_start3A_426 = arith.constant 0 : i32
        %dma_start3A_427 = arith.constant 0 : i32
        %dma_start3A_428 = tpu.memref_slice %arg3[%dma_start3A_426, %dma_start3A_427] : memref<1000000x128xf32, #tpu.memory_space<hbm>> -> memref<1000000x128xf32, #tpu.memory_space<hbm>>
        tpu.enqueue_indirect_dma source(%dma_start3A_428 : memref<1000000x128xf32, #tpu.memory_space<hbm>>) target(%dma_start3A_422 : memref<128x128xf32, #tpu.memory_space<vmem>>) offsets(%dma_start3A_425 : memref<128xi32, #tpu.memory_space<vmem>>) semaphore(%arg8 : memref<!tpu.dma_semaphore, #tpu.memory_space<semaphore_mem>>)
      } else {
      }
      %mul3A_271 = arith.constant 4 : i32
      %mul3A_272 = arith.muli %scan3A_186, %mul3A_271 : i32
      %add3A_273 = arith.constant 2 : i32
      %add3A_274 = arith.addi %mul3A_272, %add3A_273 : i32
      %dma_wait3A_275 = arith.constant 2 : i32
      %dma_wait3A_276 = arith.constant 2 : i32
      %dma_wait3A_277 = arith.constant 0 : i32
      %dma_wait3A_278 = arith.constant 0 : i32
      %dma_wait3A_279 = tpu.memref_slice %arg7[%dma_wait3A_276, %dma_wait3A_277, %dma_wait3A_278] : memref<4x128x128xf32, #tpu.memory_space<vmem>> -> memref<1x128x128xf32, #tpu.memory_space<vmem>>
      %dma_wait3A_280 = tpu.memref_squeeze %dma_wait3A_279 : memref<1x128x128xf32, #tpu.memory_space<vmem>> -> memref<128x128xf32, #tpu.memory_space<vmem>>
      %dma_wait3A_281 = arith.constant 0 : i32
      %dma_wait3A_282 = tpu.memref_slice %arg6[%dma_wait3A_275, %dma_wait3A_281] : memref<4x128xi32, #tpu.memory_space<vmem>> -> memref<1x128xi32, #tpu.memory_space<vmem>>
      %dma_wait3A_283 = tpu.memref_squeeze %dma_wait3A_282 : memref<1x128xi32, #tpu.memory_space<vmem>> -> memref<128xi32, #tpu.memory_space<vmem>>
      %dma_wait3A_284 = arith.constant 0 : i32
      %dma_wait3A_285 = arith.constant 0 : i32
      %dma_wait3A_286 = tpu.memref_slice %arg3[%dma_wait3A_284, %dma_wait3A_285] : memref<1000000x128xf32, #tpu.memory_space<hbm>> -> memref<1000000x128xf32, #tpu.memory_space<hbm>>
      tpu.wait_indirect_dma semaphore(%arg8 : memref<!tpu.dma_semaphore, #tpu.memory_space<semaphore_mem>>) src(%dma_wait3A_286 : memref<1000000x128xf32, #tpu.memory_space<hbm>>) dst(%dma_wait3A_280 : memref<128x128xf32, #tpu.memory_space<vmem>>)
      %mul3A_287 = arith.constant 128 : i32
      %mul3A_288 = arith.muli %add3A_274, %mul3A_287 : i32
      %add3A_289 = arith.addi %mul3A_2, %mul3A_288 : i32
      %dma_start3A_290 = arith.constant 2 : i32
      %dma_start3A_291 = arith.constant 0 : i32
      %dma_start3A_292 = arith.constant 0 : i32
      %dma_start3A_293 = tpu.memref_slice %arg7[%dma_start3A_290, %dma_start3A_291, %dma_start3A_292] : memref<4x128x128xf32, #tpu.memory_space<vmem>> -> memref<1x128x128xf32, #tpu.memory_space<vmem>>
      %dma_start3A_294 = tpu.memref_squeeze %dma_start3A_293 : memref<1x128x128xf32, #tpu.memory_space<vmem>> -> memref<128x128xf32, #tpu.memory_space<vmem>>
      %dma_start3A_295 = arith.constant 0 : i32
      %dma_start3A_296 = tpu.memref_slice %arg4[%add3A_289, %dma_start3A_295] : memref<819200x128xf32, #tpu.memory_space<hbm>> -> memref<128x128xf32, #tpu.memory_space<hbm>>
      %dma_start3A_297 = arith.constant 0 : i32
      %dma_start3A_298 = tpu.memref_slice %arg4[%add3A_289, %dma_start3A_297] : memref<819200x128xf32, #tpu.memory_space<hbm>> -> memref<128x128xf32, #tpu.memory_space<hbm>>
      %dma_start3A_299 = arith.constant 0 : i32
      %dma_start3A_300 = arith.constant 0 : i32
      %dma_start3A_301 = tpu.memref_slice %arg7[%dma_start3A_290, %dma_start3A_299, %dma_start3A_300] : memref<4x128x128xf32, #tpu.memory_space<vmem>> -> memref<1x128x128xf32, #tpu.memory_space<vmem>>
      %dma_start3A_302 = tpu.memref_squeeze %dma_start3A_301 : memref<1x128x128xf32, #tpu.memory_space<vmem>> -> memref<128x128xf32, #tpu.memory_space<vmem>>
      tpu.enqueue_dma source(%dma_start3A_302 : memref<128x128xf32, #tpu.memory_space<vmem>>) target(%dma_start3A_298 : memref<128x128xf32, #tpu.memory_space<hbm>>) target_semaphore(%arg9 : memref<!tpu.dma_semaphore, #tpu.memory_space<semaphore_mem>>)
      %ge3A_303 = arith.constant 2 : i32
      %ge3A_304 = arith.cmpi sge, %add3A_274, %ge3A_303 : i32
      %convert_element_type3A_305 = arith.extui %ge3A_304 : i1 to i32
      %cond3A_306 = arith.constant 0 : i32
      %cond3A_307 = arith.cmpi ne, %convert_element_type3A_305, %cond3A_306 : i32
      scf.if %cond3A_307 {
        %sub3A = arith.constant 2 : i32
        %sub3A_359 = arith.subi %add3A_274, %sub3A : i32
        %mul3A_360 = arith.constant 128 : i32
        %mul3A_361 = arith.muli %sub3A_359, %mul3A_360 : i32
        %add3A_362 = arith.addi %mul3A_2, %mul3A_361 : i32
        %dma_wait3A_363 = arith.constant 0 : i32
        %dma_wait3A_364 = arith.constant 0 : i32
        %dma_wait3A_365 = arith.constant 0 : i32
        %dma_wait3A_366 = tpu.memref_slice %arg7[%dma_wait3A_363, %dma_wait3A_364, %dma_wait3A_365] : memref<4x128x128xf32, #tpu.memory_space<vmem>> -> memref<1x128x128xf32, #tpu.memory_space<vmem>>
        %dma_wait3A_367 = tpu.memref_squeeze %dma_wait3A_366 : memref<1x128x128xf32, #tpu.memory_space<vmem>> -> memref<128x128xf32, #tpu.memory_space<vmem>>
        %dma_wait3A_368 = arith.constant 0 : i32
        %dma_wait3A_369 = tpu.memref_slice %arg4[%add3A_362, %dma_wait3A_368] : memref<819200x128xf32, #tpu.memory_space<hbm>> -> memref<128x128xf32, #tpu.memory_space<hbm>>
        %dma_wait3A_370 = arith.constant 0 : i32
        %dma_wait3A_371 = tpu.memref_slice %arg4[%add3A_362, %dma_wait3A_370] : memref<819200x128xf32, #tpu.memory_space<hbm>> -> memref<128x128xf32, #tpu.memory_space<hbm>>
        %dma_wait3A_372 = arith.constant 0 : i32
        %dma_wait3A_373 = arith.constant 0 : i32
        %dma_wait3A_374 = tpu.memref_slice %arg7[%dma_wait3A_363, %dma_wait3A_372, %dma_wait3A_373] : memref<4x128x128xf32, #tpu.memory_space<vmem>> -> memref<1x128x128xf32, #tpu.memory_space<vmem>>
        %dma_wait3A_375 = tpu.memref_squeeze %dma_wait3A_374 : memref<1x128x128xf32, #tpu.memory_space<vmem>> -> memref<128x128xf32, #tpu.memory_space<vmem>>
        tpu.wait_dma2 semaphore(%arg9 : memref<!tpu.dma_semaphore, #tpu.memory_space<semaphore_mem>>) src(%dma_wait3A_375 : memref<128x128xf32, #tpu.memory_space<vmem>>) dst(%dma_wait3A_371 : memref<128x128xf32, #tpu.memory_space<hbm>>)
      } else {
      }
      %add3A_308 = arith.constant 2 : i32
      %add3A_309 = arith.addi %add3A_274, %add3A_308 : i32
      %lt3A_310 = arith.constant 200 : i32
      %lt3A_311 = arith.cmpi slt, %add3A_309, %lt3A_310 : i32
      %convert_element_type3A_312 = arith.extui %lt3A_311 : i1 to i32
      %cond3A_313 = arith.constant 0 : i32
      %cond3A_314 = arith.cmpi ne, %convert_element_type3A_312, %cond3A_313 : i32
      scf.if %cond3A_314 {
        %add3A_359 = arith.constant 2 : i32
        %add3A_360 = arith.addi %add3A_274, %add3A_359 : i32
        %get3A_361 = arith.index_cast %add3A_360 : i32 to index
        %get3A_362 = arith.constant 0 : index
        %get3A_363 = tpu.vector_load %arg5[%get3A_361, %get3A_362] {strides = array<i32>} : memref<200x128xi32, #tpu.memory_space<vmem>>, vector<16xi32>,
        %swap3A_364 = arith.constant 0 : i32
        %swap3A_365 = arith.index_cast %swap3A_364 : i32 to index
        %swap3A_366 = arith.constant 0 : index
        %swap3A_367 = tpu.vector_load %arg6[%swap3A_365, %swap3A_366] {strides = array<i32>} : memref<4x128xi32, #tpu.memory_space<vmem>>, vector<16xi32>,
        tpu.vector_store %arg6[%swap3A_365, %swap3A_366], %get3A_363 {strides = array<i32>} : memref<4x128xi32, #tpu.memory_space<vmem>>, vector<16xi32>,
        %get3A_368 = arith.index_cast %add3A_360 : i32 to index
        %get3A_369 = arith.constant 16 : index
        %get3A_370 = tpu.vector_load %arg5[%get3A_368, %get3A_369] {strides = array<i32>} : memref<200x128xi32, #tpu.memory_space<vmem>>, vector<16xi32>,
        %swap3A_371 = arith.constant 0 : i32
        %swap3A_372 = arith.index_cast %swap3A_371 : i32 to index
        %swap3A_373 = arith.constant 16 : index
        %swap3A_374 = tpu.vector_load %arg6[%swap3A_372, %swap3A_373] {strides = array<i32>} : memref<4x128xi32, #tpu.memory_space<vmem>>, vector<16xi32>,
        tpu.vector_store %arg6[%swap3A_372, %swap3A_373], %get3A_370 {strides = array<i32>} : memref<4x128xi32, #tpu.memory_space<vmem>>, vector<16xi32>,
        %get3A_375 = arith.index_cast %add3A_360 : i32 to index
        %get3A_376 = arith.constant 32 : index
        %get3A_377 = tpu.vector_load %arg5[%get3A_375, %get3A_376] {strides = array<i32>} : memref<200x128xi32, #tpu.memory_space<vmem>>, vector<16xi32>,
        %swap3A_378 = arith.constant 0 : i32
        %swap3A_379 = arith.index_cast %swap3A_378 : i32 to index
        %swap3A_380 = arith.constant 32 : index
        %swap3A_381 = tpu.vector_load %arg6[%swap3A_379, %swap3A_380] {strides = array<i32>} : memref<4x128xi32, #tpu.memory_space<vmem>>, vector<16xi32>,
        tpu.vector_store %arg6[%swap3A_379, %swap3A_380], %get3A_377 {strides = array<i32>} : memref<4x128xi32, #tpu.memory_space<vmem>>, vector<16xi32>,
        %get3A_382 = arith.index_cast %add3A_360 : i32 to index
        %get3A_383 = arith.constant 48 : index
        %get3A_384 = tpu.vector_load %arg5[%get3A_382, %get3A_383] {strides = array<i32>} : memref<200x128xi32, #tpu.memory_space<vmem>>, vector<16xi32>,
        %swap3A_385 = arith.constant 0 : i32
        %swap3A_386 = arith.index_cast %swap3A_385 : i32 to index
        %swap3A_387 = arith.constant 48 : index
        %swap3A_388 = tpu.vector_load %arg6[%swap3A_386, %swap3A_387] {strides = array<i32>} : memref<4x128xi32, #tpu.memory_space<vmem>>, vector<16xi32>,
        tpu.vector_store %arg6[%swap3A_386, %swap3A_387], %get3A_384 {strides = array<i32>} : memref<4x128xi32, #tpu.memory_space<vmem>>, vector<16xi32>,
        %get3A_389 = arith.index_cast %add3A_360 : i32 to index
        %get3A_390 = arith.constant 64 : index
        %get3A_391 = tpu.vector_load %arg5[%get3A_389, %get3A_390] {strides = array<i32>} : memref<200x128xi32, #tpu.memory_space<vmem>>, vector<16xi32>,
        %swap3A_392 = arith.constant 0 : i32
        %swap3A_393 = arith.index_cast %swap3A_392 : i32 to index
        %swap3A_394 = arith.constant 64 : index
        %swap3A_395 = tpu.vector_load %arg6[%swap3A_393, %swap3A_394] {strides = array<i32>} : memref<4x128xi32, #tpu.memory_space<vmem>>, vector<16xi32>,
        tpu.vector_store %arg6[%swap3A_393, %swap3A_394], %get3A_391 {strides = array<i32>} : memref<4x128xi32, #tpu.memory_space<vmem>>, vector<16xi32>,
        %get3A_396 = arith.index_cast %add3A_360 : i32 to index
        %get3A_397 = arith.constant 80 : index
        %get3A_398 = tpu.vector_load %arg5[%get3A_396, %get3A_397] {strides = array<i32>} : memref<200x128xi32, #tpu.memory_space<vmem>>, vector<16xi32>,
        %swap3A_399 = arith.constant 0 : i32
        %swap3A_400 = arith.index_cast %swap3A_399 : i32 to index
        %swap3A_401 = arith.constant 80 : index
        %swap3A_402 = tpu.vector_load %arg6[%swap3A_400, %swap3A_401] {strides = array<i32>} : memref<4x128xi32, #tpu.memory_space<vmem>>, vector<16xi32>,
        tpu.vector_store %arg6[%swap3A_400, %swap3A_401], %get3A_398 {strides = array<i32>} : memref<4x128xi32, #tpu.memory_space<vmem>>, vector<16xi32>,
        %get3A_403 = arith.index_cast %add3A_360 : i32 to index
        %get3A_404 = arith.constant 96 : index
        %get3A_405 = tpu.vector_load %arg5[%get3A_403, %get3A_404] {strides = array<i32>} : memref<200x128xi32, #tpu.memory_space<vmem>>, vector<16xi32>,
        %swap3A_406 = arith.constant 0 : i32
        %swap3A_407 = arith.index_cast %swap3A_406 : i32 to index
        %swap3A_408 = arith.constant 96 : index
        %swap3A_409 = tpu.vector_load %arg6[%swap3A_407, %swap3A_408] {strides = array<i32>} : memref<4x128xi32, #tpu.memory_space<vmem>>, vector<16xi32>,
        tpu.vector_store %arg6[%swap3A_407, %swap3A_408], %get3A_405 {strides = array<i32>} : memref<4x128xi32, #tpu.memory_space<vmem>>, vector<16xi32>,
        %get3A_410 = arith.index_cast %add3A_360 : i32 to index
        %get3A_411 = arith.constant 112 : index
        %get3A_412 = tpu.vector_load %arg5[%get3A_410, %get3A_411] {strides = array<i32>} : memref<200x128xi32, #tpu.memory_space<vmem>>, vector<16xi32>,
        %swap3A_413 = arith.constant 0 : i32
        %swap3A_414 = arith.index_cast %swap3A_413 : i32 to index
        %swap3A_415 = arith.constant 112 : index
        %swap3A_416 = tpu.vector_load %arg6[%swap3A_414, %swap3A_415] {strides = array<i32>} : memref<4x128xi32, #tpu.memory_space<vmem>>, vector<16xi32>,
        tpu.vector_store %arg6[%swap3A_414, %swap3A_415], %get3A_412 {strides = array<i32>} : memref<4x128xi32, #tpu.memory_space<vmem>>, vector<16xi32>,
        %dma_start3A_417 = arith.constant 0 : i32
        %dma_start3A_418 = arith.constant 0 : i32
        %dma_start3A_419 = arith.constant 0 : i32
        %dma_start3A_420 = arith.constant 0 : i32
        %dma_start3A_421 = tpu.memref_slice %arg7[%dma_start3A_418, %dma_start3A_419, %dma_start3A_420] : memref<4x128x128xf32, #tpu.memory_space<vmem>> -> memref<1x128x128xf32, #tpu.memory_space<vmem>>
        %dma_start3A_422 = tpu.memref_squeeze %dma_start3A_421 : memref<1x128x128xf32, #tpu.memory_space<vmem>> -> memref<128x128xf32, #tpu.memory_space<vmem>>
        %dma_start3A_423 = arith.constant 0 : i32
        %dma_start3A_424 = tpu.memref_slice %arg6[%dma_start3A_417, %dma_start3A_423] : memref<4x128xi32, #tpu.memory_space<vmem>> -> memref<1x128xi32, #tpu.memory_space<vmem>>
        %dma_start3A_425 = tpu.memref_squeeze %dma_start3A_424 : memref<1x128xi32, #tpu.memory_space<vmem>> -> memref<128xi32, #tpu.memory_space<vmem>>
        %dma_start3A_426 = arith.constant 0 : i32
        %dma_start3A_427 = arith.constant 0 : i32
        %dma_start3A_428 = tpu.memref_slice %arg3[%dma_start3A_426, %dma_start3A_427] : memref<1000000x128xf32, #tpu.memory_space<hbm>> -> memref<1000000x128xf32, #tpu.memory_space<hbm>>
        tpu.enqueue_indirect_dma source(%dma_start3A_428 : memref<1000000x128xf32, #tpu.memory_space<hbm>>) target(%dma_start3A_422 : memref<128x128xf32, #tpu.memory_space<vmem>>) offsets(%dma_start3A_425 : memref<128xi32, #tpu.memory_space<vmem>>) semaphore(%arg8 : memref<!tpu.dma_semaphore, #tpu.memory_space<semaphore_mem>>)
      } else {
      }
      %mul3A_315 = arith.constant 4 : i32
      %mul3A_316 = arith.muli %scan3A_186, %mul3A_315 : i32
      %add3A_317 = arith.constant 3 : i32
      %add3A_318 = arith.addi %mul3A_316, %add3A_317 : i32
      %dma_wait3A_319 = arith.constant 3 : i32
      %dma_wait3A_320 = arith.constant 3 : i32
      %dma_wait3A_321 = arith.constant 0 : i32
      %dma_wait3A_322 = arith.constant 0 : i32
      %dma_wait3A_323 = tpu.memref_slice %arg7[%dma_wait3A_320, %dma_wait3A_321, %dma_wait3A_322] : memref<4x128x128xf32, #tpu.memory_space<vmem>> -> memref<1x128x128xf32, #tpu.memory_space<vmem>>
      %dma_wait3A_324 = tpu.memref_squeeze %dma_wait3A_323 : memref<1x128x128xf32, #tpu.memory_space<vmem>> -> memref<128x128xf32, #tpu.memory_space<vmem>>
      %dma_wait3A_325 = arith.constant 0 : i32
      %dma_wait3A_326 = tpu.memref_slice %arg6[%dma_wait3A_319, %dma_wait3A_325] : memref<4x128xi32, #tpu.memory_space<vmem>> -> memref<1x128xi32, #tpu.memory_space<vmem>>
      %dma_wait3A_327 = tpu.memref_squeeze %dma_wait3A_326 : memref<1x128xi32, #tpu.memory_space<vmem>> -> memref<128xi32, #tpu.memory_space<vmem>>
      %dma_wait3A_328 = arith.constant 0 : i32
      %dma_wait3A_329 = arith.constant 0 : i32
      %dma_wait3A_330 = tpu.memref_slice %arg3[%dma_wait3A_328, %dma_wait3A_329] : memref<1000000x128xf32, #tpu.memory_space<hbm>> -> memref<1000000x128xf32, #tpu.memory_space<hbm>>
      tpu.wait_indirect_dma semaphore(%arg8 : memref<!tpu.dma_semaphore, #tpu.memory_space<semaphore_mem>>) src(%dma_wait3A_330 : memref<1000000x128xf32, #tpu.memory_space<hbm>>) dst(%dma_wait3A_324 : memref<128x128xf32, #tpu.memory_space<vmem>>)
      %mul3A_331 = arith.constant 128 : i32
      %mul3A_332 = arith.muli %add3A_318, %mul3A_331 : i32
      %add3A_333 = arith.addi %mul3A_2, %mul3A_332 : i32
      %dma_start3A_334 = arith.constant 3 : i32
      %dma_start3A_335 = arith.constant 0 : i32
      %dma_start3A_336 = arith.constant 0 : i32
      %dma_start3A_337 = tpu.memref_slice %arg7[%dma_start3A_334, %dma_start3A_335, %dma_start3A_336] : memref<4x128x128xf32, #tpu.memory_space<vmem>> -> memref<1x128x128xf32, #tpu.memory_space<vmem>>
      %dma_start3A_338 = tpu.memref_squeeze %dma_start3A_337 : memref<1x128x128xf32, #tpu.memory_space<vmem>> -> memref<128x128xf32, #tpu.memory_space<vmem>>
      %dma_start3A_339 = arith.constant 0 : i32
      %dma_start3A_340 = tpu.memref_slice %arg4[%add3A_333, %dma_start3A_339] : memref<819200x128xf32, #tpu.memory_space<hbm>> -> memref<128x128xf32, #tpu.memory_space<hbm>>
      %dma_start3A_341 = arith.constant 0 : i32
      %dma_start3A_342 = tpu.memref_slice %arg4[%add3A_333, %dma_start3A_341] : memref<819200x128xf32, #tpu.memory_space<hbm>> -> memref<128x128xf32, #tpu.memory_space<hbm>>
      %dma_start3A_343 = arith.constant 0 : i32
      %dma_start3A_344 = arith.constant 0 : i32
      %dma_start3A_345 = tpu.memref_slice %arg7[%dma_start3A_334, %dma_start3A_343, %dma_start3A_344] : memref<4x128x128xf32, #tpu.memory_space<vmem>> -> memref<1x128x128xf32, #tpu.memory_space<vmem>>
      %dma_start3A_346 = tpu.memref_squeeze %dma_start3A_345 : memref<1x128x128xf32, #tpu.memory_space<vmem>> -> memref<128x128xf32, #tpu.memory_space<vmem>>
      tpu.enqueue_dma source(%dma_start3A_346 : memref<128x128xf32, #tpu.memory_space<vmem>>) target(%dma_start3A_342 : memref<128x128xf32, #tpu.memory_space<hbm>>) target_semaphore(%arg9 : memref<!tpu.dma_semaphore, #tpu.memory_space<semaphore_mem>>)
      %ge3A_347 = arith.constant 2 : i32
      %ge3A_348 = arith.cmpi sge, %add3A_318, %ge3A_347 : i32
      %convert_element_type3A_349 = arith.extui %ge3A_348 : i1 to i32
      %cond3A_350 = arith.constant 0 : i32
      %cond3A_351 = arith.cmpi ne, %convert_element_type3A_349, %cond3A_350 : i32
      scf.if %cond3A_351 {
        %sub3A = arith.constant 2 : i32
        %sub3A_359 = arith.subi %add3A_318, %sub3A : i32
        %mul3A_360 = arith.constant 128 : i32
        %mul3A_361 = arith.muli %sub3A_359, %mul3A_360 : i32
        %add3A_362 = arith.addi %mul3A_2, %mul3A_361 : i32
        %dma_wait3A_363 = arith.constant 1 : i32
        %dma_wait3A_364 = arith.constant 0 : i32
        %dma_wait3A_365 = arith.constant 0 : i32
        %dma_wait3A_366 = tpu.memref_slice %arg7[%dma_wait3A_363, %dma_wait3A_364, %dma_wait3A_365] : memref<4x128x128xf32, #tpu.memory_space<vmem>> -> memref<1x128x128xf32, #tpu.memory_space<vmem>>
        %dma_wait3A_367 = tpu.memref_squeeze %dma_wait3A_366 : memref<1x128x128xf32, #tpu.memory_space<vmem>> -> memref<128x128xf32, #tpu.memory_space<vmem>>
        %dma_wait3A_368 = arith.constant 0 : i32
        %dma_wait3A_369 = tpu.memref_slice %arg4[%add3A_362, %dma_wait3A_368] : memref<819200x128xf32, #tpu.memory_space<hbm>> -> memref<128x128xf32, #tpu.memory_space<hbm>>
        %dma_wait3A_370 = arith.constant 0 : i32
        %dma_wait3A_371 = tpu.memref_slice %arg4[%add3A_362, %dma_wait3A_370] : memref<819200x128xf32, #tpu.memory_space<hbm>> -> memref<128x128xf32, #tpu.memory_space<hbm>>
        %dma_wait3A_372 = arith.constant 0 : i32
        %dma_wait3A_373 = arith.constant 0 : i32
        %dma_wait3A_374 = tpu.memref_slice %arg7[%dma_wait3A_363, %dma_wait3A_372, %dma_wait3A_373] : memref<4x128x128xf32, #tpu.memory_space<vmem>> -> memref<1x128x128xf32, #tpu.memory_space<vmem>>
        %dma_wait3A_375 = tpu.memref_squeeze %dma_wait3A_374 : memref<1x128x128xf32, #tpu.memory_space<vmem>> -> memref<128x128xf32, #tpu.memory_space<vmem>>
        tpu.wait_dma2 semaphore(%arg9 : memref<!tpu.dma_semaphore, #tpu.memory_space<semaphore_mem>>) src(%dma_wait3A_375 : memref<128x128xf32, #tpu.memory_space<vmem>>) dst(%dma_wait3A_371 : memref<128x128xf32, #tpu.memory_space<hbm>>)
      } else {
      }
      %add3A_352 = arith.constant 2 : i32
      %add3A_353 = arith.addi %add3A_318, %add3A_352 : i32
      %lt3A_354 = arith.constant 200 : i32
      %lt3A_355 = arith.cmpi slt, %add3A_353, %lt3A_354 : i32
      %convert_element_type3A_356 = arith.extui %lt3A_355 : i1 to i32
      %cond3A_357 = arith.constant 0 : i32
      %cond3A_358 = arith.cmpi ne, %convert_element_type3A_356, %cond3A_357 : i32
      scf.if %cond3A_358 {
        %add3A_359 = arith.constant 2 : i32
        %add3A_360 = arith.addi %add3A_318, %add3A_359 : i32
        %get3A_361 = arith.index_cast %add3A_360 : i32 to index
        %get3A_362 = arith.constant 0 : index
        %get3A_363 = tpu.vector_load %arg5[%get3A_361, %get3A_362] {strides = array<i32>} : memref<200x128xi32, #tpu.memory_space<vmem>>, vector<16xi32>,
        %swap3A_364 = arith.constant 1 : i32
        %swap3A_365 = arith.index_cast %swap3A_364 : i32 to index
        %swap3A_366 = arith.constant 0 : index
        %swap3A_367 = tpu.vector_load %arg6[%swap3A_365, %swap3A_366] {strides = array<i32>} : memref<4x128xi32, #tpu.memory_space<vmem>>, vector<16xi32>,
        tpu.vector_store %arg6[%swap3A_365, %swap3A_366], %get3A_363 {strides = array<i32>} : memref<4x128xi32, #tpu.memory_space<vmem>>, vector<16xi32>,
        %get3A_368 = arith.index_cast %add3A_360 : i32 to index
        %get3A_369 = arith.constant 16 : index
        %get3A_370 = tpu.vector_load %arg5[%get3A_368, %get3A_369] {strides = array<i32>} : memref<200x128xi32, #tpu.memory_space<vmem>>, vector<16xi32>,
        %swap3A_371 = arith.constant 1 : i32
        %swap3A_372 = arith.index_cast %swap3A_371 : i32 to index
        %swap3A_373 = arith.constant 16 : index
        %swap3A_374 = tpu.vector_load %arg6[%swap3A_372, %swap3A_373] {strides = array<i32>} : memref<4x128xi32, #tpu.memory_space<vmem>>, vector<16xi32>,
        tpu.vector_store %arg6[%swap3A_372, %swap3A_373], %get3A_370 {strides = array<i32>} : memref<4x128xi32, #tpu.memory_space<vmem>>, vector<16xi32>,
        %get3A_375 = arith.index_cast %add3A_360 : i32 to index
        %get3A_376 = arith.constant 32 : index
        %get3A_377 = tpu.vector_load %arg5[%get3A_375, %get3A_376] {strides = array<i32>} : memref<200x128xi32, #tpu.memory_space<vmem>>, vector<16xi32>,
        %swap3A_378 = arith.constant 1 : i32
        %swap3A_379 = arith.index_cast %swap3A_378 : i32 to index
        %swap3A_380 = arith.constant 32 : index
        %swap3A_381 = tpu.vector_load %arg6[%swap3A_379, %swap3A_380] {strides = array<i32>} : memref<4x128xi32, #tpu.memory_space<vmem>>, vector<16xi32>,
        tpu.vector_store %arg6[%swap3A_379, %swap3A_380], %get3A_377 {strides = array<i32>} : memref<4x128xi32, #tpu.memory_space<vmem>>, vector<16xi32>,
        %get3A_382 = arith.index_cast %add3A_360 : i32 to index
        %get3A_383 = arith.constant 48 : index
        %get3A_384 = tpu.vector_load %arg5[%get3A_382, %get3A_383] {strides = array<i32>} : memref<200x128xi32, #tpu.memory_space<vmem>>, vector<16xi32>,
        %swap3A_385 = arith.constant 1 : i32
        %swap3A_386 = arith.index_cast %swap3A_385 : i32 to index
        %swap3A_387 = arith.constant 48 : index
        %swap3A_388 = tpu.vector_load %arg6[%swap3A_386, %swap3A_387] {strides = array<i32>} : memref<4x128xi32, #tpu.memory_space<vmem>>, vector<16xi32>,
        tpu.vector_store %arg6[%swap3A_386, %swap3A_387], %get3A_384 {strides = array<i32>} : memref<4x128xi32, #tpu.memory_space<vmem>>, vector<16xi32>,
        %get3A_389 = arith.index_cast %add3A_360 : i32 to index
        %get3A_390 = arith.constant 64 : index
        %get3A_391 = tpu.vector_load %arg5[%get3A_389, %get3A_390] {strides = array<i32>} : memref<200x128xi32, #tpu.memory_space<vmem>>, vector<16xi32>,
        %swap3A_392 = arith.constant 1 : i32
        %swap3A_393 = arith.index_cast %swap3A_392 : i32 to index
        %swap3A_394 = arith.constant 64 : index
        %swap3A_395 = tpu.vector_load %arg6[%swap3A_393, %swap3A_394] {strides = array<i32>} : memref<4x128xi32, #tpu.memory_space<vmem>>, vector<16xi32>,
        tpu.vector_store %arg6[%swap3A_393, %swap3A_394], %get3A_391 {strides = array<i32>} : memref<4x128xi32, #tpu.memory_space<vmem>>, vector<16xi32>,
        %get3A_396 = arith.index_cast %add3A_360 : i32 to index
        %get3A_397 = arith.constant 80 : index
        %get3A_398 = tpu.vector_load %arg5[%get3A_396, %get3A_397] {strides = array<i32>} : memref<200x128xi32, #tpu.memory_space<vmem>>, vector<16xi32>,
        %swap3A_399 = arith.constant 1 : i32
        %swap3A_400 = arith.index_cast %swap3A_399 : i32 to index
        %swap3A_401 = arith.constant 80 : index
        %swap3A_402 = tpu.vector_load %arg6[%swap3A_400, %swap3A_401] {strides = array<i32>} : memref<4x128xi32, #tpu.memory_space<vmem>>, vector<16xi32>,
        tpu.vector_store %arg6[%swap3A_400, %swap3A_401], %get3A_398 {strides = array<i32>} : memref<4x128xi32, #tpu.memory_space<vmem>>, vector<16xi32>,
        %get3A_403 = arith.index_cast %add3A_360 : i32 to index
        %get3A_404 = arith.constant 96 : index
        %get3A_405 = tpu.vector_load %arg5[%get3A_403, %get3A_404] {strides = array<i32>} : memref<200x128xi32, #tpu.memory_space<vmem>>, vector<16xi32>,
        %swap3A_406 = arith.constant 1 : i32
        %swap3A_407 = arith.index_cast %swap3A_406 : i32 to index
        %swap3A_408 = arith.constant 96 : index
        %swap3A_409 = tpu.vector_load %arg6[%swap3A_407, %swap3A_408] {strides = array<i32>} : memref<4x128xi32, #tpu.memory_space<vmem>>, vector<16xi32>,
        tpu.vector_store %arg6[%swap3A_407, %swap3A_408], %get3A_405 {strides = array<i32>} : memref<4x128xi32, #tpu.memory_space<vmem>>, vector<16xi32>,
        %get3A_410 = arith.index_cast %add3A_360 : i32 to index
        %get3A_411 = arith.constant 112 : index
        %get3A_412 = tpu.vector_load %arg5[%get3A_410, %get3A_411] {strides = array<i32>} : memref<200x128xi32, #tpu.memory_space<vmem>>, vector<16xi32>,
        %swap3A_413 = arith.constant 1 : i32
        %swap3A_414 = arith.index_cast %swap3A_413 : i32 to index
        %swap3A_415 = arith.constant 112 : index
        %swap3A_416 = tpu.vector_load %arg6[%swap3A_414, %swap3A_415] {strides = array<i32>} : memref<4x128xi32, #tpu.memory_space<vmem>>, vector<16xi32>,
        tpu.vector_store %arg6[%swap3A_414, %swap3A_415], %get3A_412 {strides = array<i32>} : memref<4x128xi32, #tpu.memory_space<vmem>>, vector<16xi32>,
        %dma_start3A_417 = arith.constant 1 : i32
        %dma_start3A_418 = arith.constant 1 : i32
        %dma_start3A_419 = arith.constant 0 : i32
        %dma_start3A_420 = arith.constant 0 : i32
        %dma_start3A_421 = tpu.memref_slice %arg7[%dma_start3A_418, %dma_start3A_419, %dma_start3A_420] : memref<4x128x128xf32, #tpu.memory_space<vmem>> -> memref<1x128x128xf32, #tpu.memory_space<vmem>>
        %dma_start3A_422 = tpu.memref_squeeze %dma_start3A_421 : memref<1x128x128xf32, #tpu.memory_space<vmem>> -> memref<128x128xf32, #tpu.memory_space<vmem>>
        %dma_start3A_423 = arith.constant 0 : i32
        %dma_start3A_424 = tpu.memref_slice %arg6[%dma_start3A_417, %dma_start3A_423] : memref<4x128xi32, #tpu.memory_space<vmem>> -> memref<1x128xi32, #tpu.memory_space<vmem>>
        %dma_start3A_425 = tpu.memref_squeeze %dma_start3A_424 : memref<1x128xi32, #tpu.memory_space<vmem>> -> memref<128xi32, #tpu.memory_space<vmem>>
        %dma_start3A_426 = arith.constant 0 : i32
        %dma_start3A_427 = arith.constant 0 : i32
        %dma_start3A_428 = tpu.memref_slice %arg3[%dma_start3A_426, %dma_start3A_427] : memref<1000000x128xf32, #tpu.memory_space<hbm>> -> memref<1000000x128xf32, #tpu.memory_space<hbm>>
        tpu.enqueue_indirect_dma source(%dma_start3A_428 : memref<1000000x128xf32, #tpu.memory_space<hbm>>) target(%dma_start3A_422 : memref<128x128xf32, #tpu.memory_space<vmem>>) offsets(%dma_start3A_425 : memref<128xi32, #tpu.memory_space<vmem>>) semaphore(%arg8 : memref<!tpu.dma_semaphore, #tpu.memory_space<semaphore_mem>>)
      } else {
      }
    }
    %scan3A_156 = arith.constant 50 : i32
    %add3A_157 = arith.constant 25344 : i32
    %add3A_158 = arith.addi %mul3A_2, %add3A_157 : i32
    %dma_wait3A = arith.constant 2 : i32
    %dma_wait3A_159 = arith.constant 0 : i32
    %dma_wait3A_160 = arith.constant 0 : i32
    %dma_wait3A_161 = tpu.memref_slice %arg7[%dma_wait3A, %dma_wait3A_159, %dma_wait3A_160] : memref<4x128x128xf32, #tpu.memory_space<vmem>> -> memref<1x128x128xf32, #tpu.memory_space<vmem>>
    %dma_wait3A_162 = tpu.memref_squeeze %dma_wait3A_161 : memref<1x128x128xf32, #tpu.memory_space<vmem>> -> memref<128x128xf32, #tpu.memory_space<vmem>>
    %dma_wait3A_163 = arith.constant 0 : i32
    %dma_wait3A_164 = tpu.memref_slice %arg4[%add3A_158, %dma_wait3A_163] : memref<819200x128xf32, #tpu.memory_space<hbm>> -> memref<128x128xf32, #tpu.memory_space<hbm>>
    %dma_wait3A_165 = arith.constant 0 : i32
    %dma_wait3A_166 = tpu.memref_slice %arg4[%add3A_158, %dma_wait3A_165] : memref<819200x128xf32, #tpu.memory_space<hbm>> -> memref<128x128xf32, #tpu.memory_space<hbm>>
    %dma_wait3A_167 = arith.constant 0 : i32
    %dma_wait3A_168 = arith.constant 0 : i32
    %dma_wait3A_169 = tpu.memref_slice %arg7[%dma_wait3A, %dma_wait3A_167, %dma_wait3A_168] : memref<4x128x128xf32, #tpu.memory_space<vmem>> -> memref<1x128x128xf32, #tpu.memory_space<vmem>>
    %dma_wait3A_170 = tpu.memref_squeeze %dma_wait3A_169 : memref<1x128x128xf32, #tpu.memory_space<vmem>> -> memref<128x128xf32, #tpu.memory_space<vmem>>
    tpu.wait_dma2 semaphore(%arg9 : memref<!tpu.dma_semaphore, #tpu.memory_space<semaphore_mem>>) src(%dma_wait3A_170 : memref<128x128xf32, #tpu.memory_space<vmem>>) dst(%dma_wait3A_166 : memref<128x128xf32, #tpu.memory_space<hbm>>)
    %add3A_171 = arith.constant 25472 : i32
    %add3A_172 = arith.addi %mul3A_2, %add3A_171 : i32
    %dma_wait3A_173 = arith.constant 3 : i32
    %dma_wait3A_174 = arith.constant 0 : i32
    %dma_wait3A_175 = arith.constant 0 : i32
    %dma_wait3A_176 = tpu.memref_slice %arg7[%dma_wait3A_173, %dma_wait3A_174, %dma_wait3A_175] : memref<4x128x128xf32, #tpu.memory_space<vmem>> -> memref<1x128x128xf32, #tpu.memory_space<vmem>>
    %dma_wait3A_177 = tpu.memref_squeeze %dma_wait3A_176 : memref<1x128x128xf32, #tpu.memory_space<vmem>> -> memref<128x128xf32, #tpu.memory_space<vmem>>
    %dma_wait3A_178 = arith.constant 0 : i32
    %dma_wait3A_179 = tpu.memref_slice %arg4[%add3A_172, %dma_wait3A_178] : memref<819200x128xf32, #tpu.memory_space<hbm>> -> memref<128x128xf32, #tpu.memory_space<hbm>>
    %dma_wait3A_180 = arith.constant 0 : i32
    %dma_wait3A_181 = tpu.memref_slice %arg4[%add3A_172, %dma_wait3A_180] : memref<819200x128xf32, #tpu.memory_space<hbm>> -> memref<128x128xf32, #tpu.memory_space<hbm>>
    %dma_wait3A_182 = arith.constant 0 : i32
    %dma_wait3A_183 = arith.constant 0 : i32
    %dma_wait3A_184 = tpu.memref_slice %arg7[%dma_wait3A_173, %dma_wait3A_182, %dma_wait3A_183] : memref<4x128x128xf32, #tpu.memory_space<vmem>> -> memref<1x128x128xf32, #tpu.memory_space<vmem>>
    %dma_wait3A_185 = tpu.memref_squeeze %dma_wait3A_184 : memref<1x128x128xf32, #tpu.memory_space<vmem>> -> memref<128x128xf32, #tpu.memory_space<vmem>>
    tpu.wait_dma2 semaphore(%arg9 : memref<!tpu.dma_semaphore, #tpu.memory_space<semaphore_mem>>) src(%dma_wait3A_185 : memref<128x128xf32, #tpu.memory_space<vmem>>) dst(%dma_wait3A_181 : memref<128x128xf32, #tpu.memory_space<hbm>>)
    return
  }
}

</mosaic_0001>

<sc_bundles>
// kernel: _emb.3.cloned.1.call-start
scs
__scs_entry_jumppad:
0x0: {  	(pc) =	sbr.rel $0x88, $3  }
0x1: {  	(tag) =	ssettag $0x0;
	lr =	simm.s32 $0x1  }
0x2: {  	[smem:$0x3F9F] =	sst lr;
	_ =	strace $0xD0000000  }
0x3: {  	_ = 	snop  }
0x4: {  	_ = 	snop  }
0x5: {  	_ = 	snop  }
0x6: {  	_ = 	snop  }
0x7: {  	_ = 	snop  }
__scs_overlays_trampoline_lowered:
0x8: {  	[smem:$0x3FAE] =	sst s0  }
0x9: {  	[smem:$0x3FAF] =	sst s1  }
0xa: {  	[smem:$0x3FB0] =	sst s2  }
0xb: {  	[smem:$0x3FB1] =	sst s3  }
0xc: {  	[smem:$0x3FB2] =	sst s4  }
0xd: {  	[smem:$0x3FB3] =	sst s5  }
0xe: {  	[smem:$0x3FB4] =	sst s6  }
0xf: {  	[smem:$0x3FB5] =	sst s7  }
0x10: {  	[smem:$0x3FB6] =	sst s8  }
0x11: {  	[smem:$0x3FB7] =	sst s9;
	s0 =	simm.s32 @!p0 $0x0  }
0x12: {  	s1 =	sld [smem:$0x3F9D];
	s0 =	simm.s32 @p0 $0x1  }
0x13: {  	[smem:$0x3FB8] =	sst s0;
	s0 =	simm.s32 @!p1 $0x0  }
0x14: {  	s2 =	sld [smem:$0x3F9C];
	s0 =	simm.s32 @p1 $0x1  }
0x15: {  	[smem:$0x3FB9] =	sst s0;
	s0 =	simm.s32 @!p2 $0x0  }
0x16: {  	s3 =	sld [smem:$0x3FDB];
	s0 =	simm.s32 @p2 $0x1  }
0x17: {  	s4 =	simm.s32 $0x1BF5;
	[smem:$0x3FBB] =	sst s0  }
0x18: {  	s0 =	sld [smem:$0x3F9E];
	_ =	swait.ge [sflag:s4], $0x0  }
0x19: {  	s7 =	sld [smem:$0x3F9F]  }
0x1a: {  	s8 =	sadd.s32 $0xFFFFE003, lr  }
0x1b: {  	s9 =	sadd.s32 $0xFFFFFEF7, lr;
	s5 =	simm.s32 $0xFFFFFFFF;
	p2 =	slt.u32 s8, $0xFFFFF086  }
0x1c: {  	p1 =	slt.u32 s9, $0xF7A;
	s5 =	simm.s32 @!p2 $0x0  }
0x1d: {  	s5 =	simm.s32 @p1 $0x1;
	p0 =	seq.s32 s7, s2  }
0x1e: {  	s7 =	smul.u32 @!p0 $0xF7A, s2;
	p2 =	seq.s32 @!p0 s5, $0x0  }
0x1f: {  	s9 =	smul.u32 $0xF7A, s1;
	s8 =	simm.s32 @!p0 $0x1BF5;
	p2 =	por !p2, p0  }
0x20: {  	[sflag:s8] =	ssyncset.s32 @!p0 $0xFFFFF086;
	s6 =	sadd.s32 @!p0 s3, s7;
	s7 =	simm.s32 @!p0 $0x108  }
0x21: {  	s3 =	sadd.s32 s3, s9;
	s6 =	sadd.s32 @!p0 $0x88, s6;
	s7 =	simm.s32 @p2 $0x1082  }
0x22: {  	[simem:s7], [sflag:s8] =	dma.local @!p0 [hbm:s6], $0xF7A  }
0x23: {  	s9 =	sor.u32 $0xD0000000, s2;
	s6 =	simm.s32 $0x108;
	_ =	swait.ge @!p0 [sflag:s8], $0x0  }
0x24: {  	s3 =	sadd.s32 $0x88, s3;
	s6 =	simm.s32 @!p1 $0x1082;
	[sflag:s4] =	ssyncset.s32 $0xFFFFF086  }
0x25: {  	[simem:s6], [sflag:s4] =	dma.local [hbm:s3], $0xF7A  }
0x26: {  	[smem:$0x3F9F] =	sst s1;
	(tag) =	ssettag s2;
	_ =	strace s9  }
0x27: {  	s1 =	sld [smem:$0x3FAF]  }
0x28: {  	s2 =	sld [smem:$0x3FB0]  }
0x29: {  	s4 =	sld [smem:$0x3FB2]  }
0x2a: {  	p0 =	seq.s32 s5, $0x0;
	s5 =	sld [smem:$0x3FB3]  }
0x2b: {  	s6 =	sld [smem:$0x3FB4]  }
0x2c: {  	s7 =	sld [smem:$0x3FB5]  }
0x2d: {  	s3 =	simm.s32 $0x108;
	s8 =	sld [smem:$0x3FB6]  }
0x2e: {  	s3 =	simm.s32 @!p0 $0x1082;
	s9 =	sld [smem:$0x3FB7]  }
0x2f: {  	lr =	sadd.s32 s0, s3;
	s0 =	sld [smem:$0x3FAE]  }
0x30: {  	s3 =	sld [smem:$0x3FB1]  }
0x31: {  	[smem:$0x3FBA] =	sst s10  }
0x32: {  	s10 =	sld [smem:$0x3FB8];
	_ =	sdelay $0x3  }
0x33: {  	p0 =	seq.s32 s10, $0x1;
	s10 =	sld [smem:$0x3FBA];
	_ =	sdelay $0x3  }
0x34: {  	[smem:$0x3FBA] =	sst s10  }
0x35: {  	s10 =	sld [smem:$0x3FB9];
	_ =	sdelay $0x3  }
0x36: {  	p1 =	seq.s32 s10, $0x1;
	s10 =	sld [smem:$0x3FBA];
	_ =	sdelay $0x3  }
0x37: {  	[smem:$0x3FBA] =	sst s10  }
0x38: {  	s10 =	sld [smem:$0x3FBB]  }
0x39: {  	_ = 	snop;
	(pc) =	sbr.ind lr, $3  }
0x3a: {  	_ = 	snop  }
0x3b: {  	_ = 	snop  }
0x3c: {  	p2 =	seq.s32 s10, $0x1;
	s10 =	sld [smem:$0x3FBA]  }
0x3d: {  	_ =	shalt  }
0x3e: {  	_ =	shalt  }
0x3f: {  	_ =	shalt  }
0x40: {  	_ =	shalt  }
0x41: {  	_ =	shalt  }
0x42: {  	_ =	shalt  }
0x43: {  	_ =	shalt  }
0x44: {  	_ =	shalt  }
0x45: {  	_ =	shalt  }
0x46: {  	_ =	shalt  }
0x47: {  	_ =	shalt  }
0x48: {  	_ =	shalt  }
0x49: {  	_ =	shalt  }
0x4a: {  	_ =	shalt  }
0x4b: {  	_ =	shalt  }
0x4c: {  	_ =	shalt  }
0x4d: {  	_ =	shalt  }
0x4e: {  	_ =	shalt  }
0x4f: {  	_ =	shalt  }
0x50: {  	_ =	shalt  }
0x51: {  	_ =	shalt  }
0x52: {  	_ =	shalt  }
0x53: {  	_ =	shalt  }
0x54: {  	_ =	shalt  }
0x55: {  	_ =	shalt  }
0x56: {  	_ =	shalt  }
0x57: {  	_ =	shalt  }
0x58: {  	_ =	shalt  }
0x59: {  	_ =	shalt  }
0x5a: {  	_ =	shalt  }
0x5b: {  	_ =	shalt  }
0x5c: {  	_ =	shalt  }
0x5d: {  	_ =	shalt  }
0x5e: {  	_ =	shalt  }
0x5f: {  	_ =	shalt  }
0x60: {  	_ =	shalt  }
0x61: {  	_ =	shalt  }
0x62: {  	_ =	shalt  }
0x63: {  	_ =	shalt  }
0x64: {  	_ =	shalt  }
0x65: {  	_ =	shalt  }
0x66: {  	_ =	shalt  }
0x67: {  	_ =	shalt  }
0x68: {  	_ =	shalt  }
0x69: {  	_ =	shalt  }
0x6a: {  	_ =	shalt  }
0x6b: {  	_ =	shalt  }
0x6c: {  	_ =	shalt  }
0x6d: {  	_ =	shalt  }
0x6e: {  	_ =	shalt  }
0x6f: {  	_ =	shalt  }
0x70: {  	_ =	shalt  }
0x71: {  	_ =	shalt  }
0x72: {  	_ =	shalt  }
0x73: {  	_ =	shalt  }
0x74: {  	_ =	shalt  }
0x75: {  	_ =	shalt  }
0x76: {  	_ =	shalt  }
0x77: {  	_ =	shalt  }
0x78: {  	_ =	shalt  }
0x79: {  	_ =	shalt  }
0x7a: {  	_ =	shalt  }
0x7b: {  	_ =	shalt  }
0x7c: {  	_ =	shalt  }
0x7d: {  	_ =	shalt  }
0x7e: {  	_ =	shalt  }
0x7f: {  	_ =	shalt  }
0x80: {  	_ =	shalt  }
0x81: {  	_ =	shalt  }
0x82: {  	_ =	shalt  }
0x83: {  	_ =	shalt  }
0x84: {  	_ =	shalt  }
0x85: {  	_ =	shalt  }
0x86: {  	_ =	shalt  }
0x87: {  	_ =	shalt  }
.Lfunc_end0:
.L_simem_size_0:
called_computation_lowered:
.L_overlay_start_0:
0x88: {  	s2 =	sld [smem:$0x3FD9]  }
0x89: {  	s3 =	sld [smem:$0x3FFE];
	_ =	sdelay $0x1  }
0x8a: {  	s1 =	srdreg.scid  }
0x8b: {  	s0 =	sand.u32 $0x1, s1  }
0x8c: {  	s18 =	sshll.u32 s0, $0xA;
	s2 =	sadd.s32 s3, s2  }
0x8d: {  	s2 =	sadd.s32 s2, s18  }
0x8e: {  	[smem:$0x3FC6] =	sst s2  }
0x8f: {  	_ = 	snop  }
0x90: {  	s2 =	sld [smem:$0x3FC9]  }
0x91: {  	s19 =	sld [smem:$0x3FC8]  }
0x92: {  	s4 =	sld [smem:$0x3FD0];
	(tm) =	ssettm $0x1  }
0x93: {  	s5 =	sld [smem:$0x3FFB];
	_ =	sdelay $0x3  }
0x94: {  	_ =	strace s5  }
0x95: {  	s5 =	sld [smem:$0x3FFC];
	_ =	sdelay $0x3  }
0x96: {  	_ =	strace s5  }
0x97: {  	s5 =	sld [smem:$0x3FFD];
	_ =	sdelay $0x3  }
0x98: {  	_ =	strace s5  }
0x99: {  	_ =	strace $0x8FFFFFFF  }
0x9a: {  	s20 =	sld [smem:$0x3FDB];
	_ =	sdelay $0x1  }
0x9b: {  	s6 =	simm.s32 $_scs_section_size  }
0x9c: {  	s7 =	simm.s32 $_size__tile_overlayer_lowered;
	s8 =	simm.s32 $_tile_overlayer_lowered  }
0x9d: {  	s23 =	simm.s32 $0x1BFF;
	s22 =	sshll.u32 s8, $0x1;
	s5 =	sadd.s32 s6, s20  }
0x9e: {  	s9 =	simm.s32 $0x0;
	s21 =	sshll.u32 s7, $0x1;
	s7 =	sadd.s32 s22, s5  }
0x9f: {  	[timem:s9], [sflag:s23] =	dma.local [hbm:s7], s21  }
0xa0: {  	_ =	swait.ge [sflag:s23], s21  }
0xa1: {  	s6 =	ssub.s32 $0x0, s21;
	[sflag:s23] =	ssyncset.done $0x0  }
0xa2: {  	[sflag:s23] =	ssyncadd.s32 s6;
	_ =	sdelay $0x1  }
0xa3: {  	s24 =	simm.s32 $0x1B8B  }
0xa4: {  	_ =	swait.ge [sflag:s24], $0x1  }
0xa5: {  	[sflag:s24] =	ssyncset.done $0x0  }
0xa6: {  	s25 =	simm.s32 $0x1B8E;
	[sflag:s24] =	ssyncadd.s32 $0xFFFFFFFF  }
0xa7: {  	s26 =	simm.s32 $execute0_lowered;
	[smem:$0x3FD2] =	sst s25  }
0xa8: {  	s6 =	sshll.u32 s26, $0x1;
	_ =	strace $0x80000046;
	[dreg:$0x1] =	wrdreg $0xFFFFFFFF  }
0xa9: {  	s28 =	simm.s32 $_size_execute0_lowered;
	s5 =	sadd.s32 s5, s6;
	[dreg:$0x0] =	wrdreg $0x0  }
0xaa: {  	s6 =	sshll.u32 s28, $0x1;
	[dreg:$0x2] =	wrdreg s5  }
0xab: {  	[dreg:$0x3] =	wrdreg s6  }
0xac: {  	[dreg:$0x4] =	wrdreg $0xC0  }
0xad: {  	_ =	task [dreg:s9], $0x5FFFF  }
0xae: {  	[dreg:$0x1] =	wrdreg $0xFFFFFFFF  }
0xaf: {  	[dreg:$0x0] =	wrdreg $0x60  }
0xb0: {  	[dreg:$0x2] =	wrdreg s2  }
0xb1: {  	[dreg:$0x3] =	wrdreg s19  }
0xb2: {  	[dreg:$0x4] =	wrdreg s4  }
0xb3: {  	[dreg:$0x5] =	wrdreg $0x9  }
0xb4: {  	_ =	task.clear_ibuf [dreg:s9], $0x6FFFF;
	_ =	strace $0x90000046  }
0xb5: {  	s29 =	simm.s32 $0x9;
	_ =	strace $0x80000048  }
0xb6: {  	_ =	swait.ge [sflag:s29], $0x1  }
0xb7: {  	[sflag:s29] =	ssyncadd.s32 $0xFFFFFFFF  }
0xb8: {  	_ =	strace $0x90000048  }
0xb9: {  	_ =	sfence  }
0xba: {  	s30 =	sld [smem:$0x0];
	_ =	sdelay $0x2  }
0xbb: {  	s31 =	sshll.u32 s1, $0xD;
	s1 =	sshrl.u32 s1, $0x2  }
0xbc: {  	s3 =	sand.u32 $0x4000, s31;
	s1 =	sadd.s32 s1, s30  }
0xbd: {  	s0 =	sor.u32 s3, s0;
	s1 =	sshll.u32 s1, $0x11  }
0xbe: {  	s0 =	sor.u32 s1, s0  }
0xbf: {  	s0 =	sadd.s32 $0x8F2B, s0  }
0xc0: {  	[sflag:s0] =	ssyncadd.remote.s32 $0x1  }
0xc1: {  	_ =	sfence.sel $0xFFFF  }
0xc2: {  	[dreg:$0x0] =	wrdreg $0xFFFFFFFF;
	(pc) =	sbr.abs _section_cstart, $3  }
0xc3: {  	[dreg:$0x1] =	wrdreg $0xFFFFFFFF  }
0xc4: {  	_ =	task.clear_ibuf [dreg:s9], $0x2FFFF;
	_ =	strace $0x9FFFFFFF  }
0xc5: {  	(tm) =	ssettm $0x7FFFFFFF  }
tec
execute0_lowered:
.L_overlay_start_1:
0x0: {  	(tag) =	ssettag $0x1  }
0x1: {  	s4 =	rddreg [dreg:$0x0]  }
0x2: {  	s2 =	rddreg [dreg:$0x1]  }
0x3: {  	s9 =	rddreg [dreg:$0x2]  }
0x4: {  	s0 =	rddreg [dreg:$0x3]  }
0x5: {  	s3 =	srdreg.scid;
	s1 =	stileid.u32;
	s11 =	simm.s32 $0x80  }
0x6: {  	s12 =	simm.s32 $0x6400;
	s13 =	simm.s32 $0x6600;
	s14 =	simm.s32 $0x6480  }
0x7: {  	s15 =	simm.s32 $0xA600;
	s16 =	simm.s32 $0x1;
	s17 =	simm.s32 $0x6500  }
0x8: {  	s18 =	simm.s32 $0xE600;
	s19 =	simm.s32 $0x6580;
	s20 =	simm.s32 $0x12600  }
0x9: {  	s21 =	simm.s32 $0x2;
	s22 =	simm.s32 $0x0;
	s5 =	sand.u32 $0x1, s3  }
0xa: {  	s6 =	sshll.u32 s1, $0x1;
	s7 =	smul.u32 $0x640000, s1;
	s3 =	simm.s32 $0x0  }
0xb: {  	s6 =	sor.u32 s5, s6;
	s8 =	smul.u32 $0x320000, s5;
	s5 =	ssub.s32 $0x2, s5  }
0xc: {  	[smem:$0x7FF] =	sst s3;
	s6 =	smul.u32 $0xC80, s6;
	s10 =	sshrl.u32 s5, $0x1  }
0xd: {  	_ =	strace $0x80000047;
	s8 =	sadd.s32 s8, s7;
	s5 =	ssub.s32 s5, s10  }
.Ltmp0:
0xe: {  	s4 =	sadd.s32 s4, s6;
	s30 =	sor.u32 $0x8000, s8;
	(pc) =	sbr.rel .LBB2_1-.Ltmp0, $4  }
0xf: {  	s5 =	smax.u32 s5, $0x1;
	s7 =	sor.u32 $0xC000, s8;
	s31 =	sor.u32 $0x4000, s8  }
0x10: {  	s8 =	sshrl.u32 s8, $0x3;
	s6 =	sshrl.u32 s30, $0x3;
	s7 =	sshrl.u32 s7, $0x3  }
0x11: {  	s10 =	sshrl.u32 s31, $0x3;
	s8 =	sadd.s32 s8, s9;
	s6 =	sadd.s32 s6, s9  }
0x12: {  	s7 =	sadd.s32 s7, s9;
	s9 =	sadd.s32 s10, s9;
	s10 =	simm.s32 $0x3  }
.LBB2_4:
0x13: {  	s22 =	sadd.s32 $0x1, s22  }
0x14: {  	_ =	swait.ge [sflag:s21], $0x4000;
	p0 =	sne.s32 s22, s5  }
.Ltmp1:
0x15: {  	[sflag:s21] =	ssyncset.done $0x0;
	(pc) =	sbr.rel @!p0 .LBB2_5-.Ltmp1, $4  }
0x16: {  	[sflag:s21] =	ssyncadd.s32 $0xFFFFC000  }
0x17: {  	_ =	swait.ge [sflag:s21], $0x4000  }
0x18: {  	[sflag:s21] =	ssyncset.done $0x0  }
0x19: {  	[sflag:s21] =	ssyncadd.s32 $0xFFFFC000  }
.LBB2_1:
0x1a: {  	[tilespmem:s3], [sflag:$0x3] =	stream.linear.gather [hbm4b:s4+s3], $0x6400, $0x38;
	[tilespmem:$0x16600] =	vst v63  }
0x1b: {  	_ =	swait.ge [sflag:s10], $0x6400  }
0x1c: {  	[sflag:s10] =	ssyncset.done $0x0  }
0x1d: {  	[sflag:s10] =	ssyncadd.s32 $0xFFFF9C00  }
0x1e: {  	v0 =	vld [tilespmem:$0x0]  }
0x1f: {  	v1 =	vld [tilespmem:$0x10]  }
0x20: {  	v2 =	vld [tilespmem:$0x20]  }
0x21: {  	v3 =	vld [tilespmem:$0x30]  }
0x22: {  	v4 =	vld [tilespmem:$0x40]  }
0x23: {  	v53 =	vld [tilespmem:$0x50];
	[tilespmem:$0x6400] =	vst v0  }
0x24: {  	v54 =	vld [tilespmem:$0x60];
	[tilespmem:$0x6410] =	vst v1  }
0x25: {  	v55 =	vld [tilespmem:$0x70];
	[tilespmem:$0x6420] =	vst v2  }
0x26: {  	[tilespmem:$0x6430] =	vst v3  }
0x27: {  	[tilespmem:$0x6440] =	vst v4  }
0x28: {  	[tilespmem:$0x6450] =	vst v53  }
0x29: {  	[tilespmem:$0x6460] =	vst v54  }
0x2a: {  	[tilespmem:$0x6470] =	vst v55  }
0x2b: {  	[tilespmem:s13], [sflag:$0x1] =	stream.indirect.gather [hbm4b:s2+s11], $0x80, s12, s11, $0xb8;
	[tilespmem:$0x16600] =	vst v63  }
0x2c: {  	v56 =	vld [tilespmem:$0x80]  }
0x2d: {  	v57 =	vld [tilespmem:$0x90]  }
0x2e: {  	v58 =	vld [tilespmem:$0xA0]  }
0x2f: {  	v59 =	vld [tilespmem:$0xB0]  }
0x30: {  	v60 =	vld [tilespmem:$0xC0]  }
0x31: {  	v61 =	vld [tilespmem:$0xD0];
	[tilespmem:$0x6480] =	vst v56  }
0x32: {  	v62 =	vld [tilespmem:$0xE0];
	[tilespmem:$0x6490] =	vst v57  }
0x33: {  	v63 =	vld [tilespmem:$0xF0];
	[tilespmem:$0x64A0] =	vst v58  }
0x34: {  	[tilespmem:$0x64B0] =	vst v59  }
0x35: {  	[tilespmem:$0x64C0] =	vst v60  }
0x36: {  	[tilespmem:$0x64D0] =	vst v61  }
0x37: {  	[tilespmem:$0x64E0] =	vst v62  }
0x38: {  	s23 =	simm.s32 $0x180;
	s24 =	simm.s32 $0x0;
	[tilespmem:$0x64F0] =	vst v63  }
0x39: {  	[tilespmem:s15], [sflag:$0x1] =	stream.indirect.gather [hbm4b:s2+s11], $0x80, s14, s11, $0xb8;
	[tilespmem:$0x16600] =	vst v63  }
.LBB2_2:
0x3a: {  	_ =	swait.ge [sflag:s16], $0x4000  }
0x3b: {  	[sflag:s16] =	ssyncset.done $0x0  }
0x3c: {  	s25 =	sadd.s32 s24, s8;
	p0 =	seq.s32 s24, $0x0;
	[sflag:s16] =	ssyncadd.s32 $0xFFFFC000  }
0x3d: {  	[hbm4b:s25+s3] =	stream.linear.scatter [tilespmem:s13], [sflag:$0x2], $0x4000, $0x38;
	[tilespmem:$0x16600] =	vst v63  }
0x3e: {  	s25 =	simm.s32 @!p0 $0x2  }
0x3f: {  	_ =	swait.ge @!p0 [sflag:s25], $0x4000  }
0x40: {  	[sflag:s25] =	ssyncset.done @!p0 $0x0  }
0x41: {  	[sflag:s25] =	ssyncadd.s32 @!p0 $0xFFFFC000  }
0x42: {  	v0 =	vld [tilespmem:s23+$0xFFFFFF80];
	_ =	sdelay $0x4  }
0x43: {  	[tilespmem:$0x6500] =	vst v0  }
0x44: {  	v0 =	vld [tilespmem:s23+$0xFFFFFF90];
	_ =	sdelay $0x4  }
0x45: {  	[tilespmem:$0x6510] =	vst v0  }
0x46: {  	v0 =	vld [tilespmem:s23+$0xFFFFFFA0];
	_ =	sdelay $0x4  }
0x47: {  	[tilespmem:$0x6520] =	vst v0  }
0x48: {  	v0 =	vld [tilespmem:s23+$0xFFFFFFB0];
	_ =	sdelay $0x4  }
0x49: {  	[tilespmem:$0x6530] =	vst v0  }
0x4a: {  	v0 =	vld [tilespmem:s23+$0xFFFFFFC0];
	_ =	sdelay $0x4  }
0x4b: {  	[tilespmem:$0x6540] =	vst v0  }
0x4c: {  	v0 =	vld [tilespmem:s23+$0xFFFFFFD0];
	_ =	sdelay $0x4  }
0x4d: {  	[tilespmem:$0x6550] =	vst v0  }
0x4e: {  	v0 =	vld [tilespmem:s23+$0xFFFFFFE0];
	_ =	sdelay $0x4  }
0x4f: {  	[tilespmem:$0x6560] =	vst v0  }
0x50: {  	v0 =	vld [tilespmem:s23+$0xFFFFFFF0];
	_ =	sdelay $0x4  }
0x51: {  	[tilespmem:$0x6570] =	vst v0  }
0x52: {  	[tilespmem:s18], [sflag:$0x1] =	stream.indirect.gather [hbm4b:s2+s11], $0x80, s17, s11, $0xb8;
	[tilespmem:$0x16600] =	vst v63  }
0x53: {  	_ =	swait.ge [sflag:s16], $0x4000  }
0x54: {  	[sflag:s16] =	ssyncset.done $0x0  }
0x55: {  	s26 =	sadd.s32 s24, s9;
	[sflag:s16] =	ssyncadd.s32 $0xFFFFC000  }
0x56: {  	[hbm4b:s26+s3] =	stream.linear.scatter [tilespmem:s15], [sflag:$0x2], $0x4000, $0x38;
	[tilespmem:$0x16600] =	vst v63  }
0x57: {  	_ =	swait.ge @!p0 [sflag:s25], $0x4000  }
0x58: {  	[sflag:s25] =	ssyncset.done @!p0 $0x0  }
0x59: {  	[sflag:s25] =	ssyncadd.s32 @!p0 $0xFFFFC000  }
0x5a: {  	v63 =	vld [tilespmem:s23+$0x0];
	_ =	sdelay $0x4  }
0x5b: {  	[tilespmem:$0x6580] =	vst v63  }
0x5c: {  	v0 =	vld [tilespmem:s23+$0x10];
	_ =	sdelay $0x4  }
0x5d: {  	[tilespmem:$0x6590] =	vst v0  }
0x5e: {  	v0 =	vld [tilespmem:s23+$0x20];
	_ =	sdelay $0x4  }
0x5f: {  	[tilespmem:$0x65A0] =	vst v0  }
0x60: {  	v0 =	vld [tilespmem:s23+$0x30];
	_ =	sdelay $0x4  }
0x61: {  	[tilespmem:$0x65B0] =	vst v0  }
0x62: {  	v0 =	vld [tilespmem:s23+$0x40];
	_ =	sdelay $0x4  }
0x63: {  	[tilespmem:$0x65C0] =	vst v0  }
0x64: {  	v0 =	vld [tilespmem:s23+$0x50];
	_ =	sdelay $0x4  }
0x65: {  	[tilespmem:$0x65D0] =	vst v0  }
0x66: {  	v0 =	vld [tilespmem:s23+$0x60];
	_ =	sdelay $0x4  }
0x67: {  	[tilespmem:$0x65E0] =	vst v0  }
0x68: {  	v0 =	vld [tilespmem:s23+$0x70];
	_ =	sdelay $0x4  }
0x69: {  	[tilespmem:$0x65F0] =	vst v0  }
0x6a: {  	[tilespmem:s20], [sflag:$0x1] =	stream.indirect.gather [hbm4b:s2+s11], $0x80, s19, s11, $0xb8;
	[tilespmem:$0x16600] =	vst v63  }
0x6b: {  	_ =	swait.ge [sflag:s16], $0x4000  }
0x6c: {  	[sflag:s16] =	ssyncset.done $0x0  }
0x6d: {  	s30 =	sadd.s32 s24, s6;
	[sflag:s16] =	ssyncadd.s32 $0xFFFFC000  }
0x6e: {  	[hbm4b:s30+s3] =	stream.linear.scatter [tilespmem:s18], [sflag:$0x2], $0x4000, $0x38;
	[tilespmem:$0x16600] =	vst v63  }
0x6f: {  	_ =	swait.ge [sflag:s21], $0x4000  }
0x70: {  	[sflag:s21] =	ssyncset.done $0x0  }
0x71: {  	p0 =	seq.s32 s24, $0x62000;
	[sflag:s21] =	ssyncadd.s32 $0xFFFFC000  }
0x72: {  	v0 =	vld @!p0 [tilespmem:s23+$0x80];
	_ =	sdelay $0x4  }
0x73: {  	[tilespmem:$0x6400] =	vst @!p0 v0  }
0x74: {  	v0 =	vld @!p0 [tilespmem:s23+$0x90];
	_ =	sdelay $0x4  }
0x75: {  	[tilespmem:$0x6410] =	vst @!p0 v0  }
0x76: {  	v0 =	vld @!p0 [tilespmem:s23+$0xA0];
	_ =	sdelay $0x4  }
0x77: {  	[tilespmem:$0x6420] =	vst @!p0 v0  }
0x78: {  	v0 =	vld @!p0 [tilespmem:s23+$0xB0];
	_ =	sdelay $0x4  }
0x79: {  	[tilespmem:$0x6430] =	vst @!p0 v0  }
0x7a: {  	v0 =	vld @!p0 [tilespmem:s23+$0xC0];
	_ =	sdelay $0x4  }
0x7b: {  	[tilespmem:$0x6440] =	vst @!p0 v0  }
0x7c: {  	v0 =	vld @!p0 [tilespmem:s23+$0xD0];
	_ =	sdelay $0x4  }
0x7d: {  	[tilespmem:$0x6450] =	vst @!p0 v0  }
0x7e: {  	v0 =	vld @!p0 [tilespmem:s23+$0xE0];
	_ =	sdelay $0x4  }
0x7f: {  	[tilespmem:$0x6460] =	vst @!p0 v0  }
0x80: {  	v0 =	vld @!p0 [tilespmem:s23+$0xF0];
	_ =	sdelay $0x4  }
0x81: {  	s25 =	simm.s32 @!p0 $0x80;
	s26 =	simm.s32 @!p0 $0x6400;
	s28 =	simm.s32 @!p0 $0x6600;
	[tilespmem:$0x6470] =	vst @!p0 v0  }
0x82: {  	[tilespmem:s28], [sflag:$0x1] =	stream.indirect.gather @!p0 [hbm4b:s2+s25], $0x80, s26, s25, $0xb8;
	[tilespmem:$0x16600] =	vst v63  }
0x83: {  	_ =	swait.ge [sflag:s16], $0x4000  }
0x84: {  	[sflag:s16] =	ssyncset.done $0x0  }
.Ltmp2:
0x85: {  	s31 =	sadd.s32 s24, s7;
	[sflag:s16] =	ssyncadd.s32 $0xFFFFC000;
	(pc) =	sbr.rel @p0 .LBB2_4-.Ltmp2, $4  }
0x86: {  	[hbm4b:s31+s3] =	stream.linear.scatter [tilespmem:s20], [sflag:$0x2], $0x4000, $0x38;
	[tilespmem:$0x16600] =	vst v63  }
0x87: {  	_ =	swait.ge [sflag:s21], $0x4000  }
0x88: {  	[sflag:s21] =	ssyncset.done $0x0  }
0x89: {  	[sflag:s21] =	ssyncadd.s32 $0xFFFFC000  }
0x8a: {  	v0 =	vld [tilespmem:s23+$0x100];
	_ =	sdelay $0x4  }
0x8b: {  	[tilespmem:$0x6480] =	vst v0  }
0x8c: {  	v0 =	vld [tilespmem:s23+$0x110];
	_ =	sdelay $0x4  }
0x8d: {  	[tilespmem:$0x6490] =	vst v0  }
0x8e: {  	v0 =	vld [tilespmem:s23+$0x120];
	_ =	sdelay $0x4  }
0x8f: {  	[tilespmem:$0x64A0] =	vst v0  }
0x90: {  	v0 =	vld [tilespmem:s23+$0x130];
	_ =	sdelay $0x4  }
0x91: {  	[tilespmem:$0x64B0] =	vst v0  }
0x92: {  	v0 =	vld [tilespmem:s23+$0x140];
	_ =	sdelay $0x4  }
0x93: {  	[tilespmem:$0x64C0] =	vst v0  }
0x94: {  	v0 =	vld [tilespmem:s23+$0x150];
	_ =	sdelay $0x4  }
0x95: {  	[tilespmem:$0x64D0] =	vst v0  }
0x96: {  	v0 =	vld [tilespmem:s23+$0x160];
	_ =	sdelay $0x4  }
0x97: {  	[tilespmem:$0x64E0] =	vst v0  }
0x98: {  	v0 =	vld [tilespmem:s23+$0x170];
	_ =	sdelay $0x1  }
.Ltmp3:
0x99: {  	_ = 	snop;
	(pc) =	sbr.rel .LBB2_2-.Ltmp3, $3  }
0x9a: {  	_ =	sdelay $0x1  }
0x9b: {  	s24 =	sadd.s32 $0x2000, s24;
	s23 =	sadd.s32 $0x200, s23;
	[tilespmem:$0x64F0] =	vst v0  }
0x9c: {  	[tilespmem:s15], [sflag:$0x1] =	stream.indirect.gather [hbm4b:s2+s11], $0x80, s14, s11, $0xb8;
	[tilespmem:$0x16600] =	vst v63  }
.LBB2_5:
0x9d: {  	_ =	sfence.sel $0x180000  }
0x9e: {  	[bflag:$0x0] =	sbarrier.arrive $0xFFFF  }
0x9f: {  	p0 =	sne.s32 s1, $0x0;
	_ =	strace $0x90000047  }
0xa0: {  	s0 =	sadd.s32 @!p0 $0x100000, s0;
	[bflag:$0x2] =	sbarrier.arrive $0xFFFF  }
0xa1: {  	[sflag:s0] =	ssyncadd.tile.s32 @!p0 $0x1;
	_ =	shalt  }
.Lfunc_end2:
_tile_overlayer_lowered:
.L_overlay_start_2:
0xa2: {  	(tag) =	ssettag $0x2  }
0xa3: {  	s0 =	rddreg [dreg:$0x0];
	s2 =	stileid.u32  }
0xa4: {  	s1 =	rddreg [dreg:$0x1];
	p0 =	sne.s32 s2, $0x0  }
0xa5: {  	s3 =	rddreg [dreg:$0x2];
	[bflag:$0x3] =	sbarrier.arrive $0xFFFF;
	s2 =	simm.s32 @!p0 $0x1C03  }
0xa6: {  	[timem:s3], [sflag:s2] =	dma.local @!p0 [hbm:s0], s1  }
0xa7: {  	s0 =	simm.s32 @!p0 $0x3  }
0xa8: {  	_ =	swait.ge @!p0 [sflag:s0], s1  }
0xa9: {  	s1 =	ssub.s32 @!p0 $0x0, s1;
	[sflag:s0] =	ssyncset.done @!p0 $0x0  }
0xaa: {  	[sflag:s0] =	ssyncadd.s32 @!p0 s1  }
0xab: {  	[bflag:$0x3] =	sbarrier.arrive $0xFFFF  }
0xac: {  	_ =	shalt  }

</sc_bundles>
